<compile_context>
chip_gen: v7x
topology: tpu7x:2x2x1
jax: 0.10.2.dev20260603
libtpu: 0.0.44.dev20260713+nightly
codegen_flags: <defaults>
</compile_context>

<pallas_src>
import functools

import jax
import jax.numpy as jnp
import numpy as np
from jax import lax
from jax.experimental import pallas as pl
from jax.experimental.pallas import tpu as pltpu
from jax.experimental.pallas import tpu_sc as plsc

_CHUNK = 128
_PPAD = 1 << 20


def _make_sc_gather(nw, nc, nchunks, k):
    half = nchunks // 2
    mesh = plsc.VectorSubcoreMesh(core_axis_name="c", subcore_axis_name="s")

    @functools.partial(
        pl.kernel,
        mesh=mesh,
        compiler_params=pltpu.CompilerParams(use_tc_tiling_on_sc=False),
        out_type=jax.ShapeDtypeStruct((nw, nchunks, _CHUNK, k), jnp.float32),
        scratch_types=[
            pltpu.VMEM((nchunks, _CHUNK), jnp.int32),
            pltpu.VMEM((half, _CHUNK, k), jnp.float32),
            pltpu.SemaphoreType.DMA,
        ],
    )
    def sc_gather(seq_hbm, table_hbm, out_hbm, idx_v, rows_v, sem):
        w = lax.axis_index("s") * nc + lax.axis_index("c")
        pltpu.sync_copy(seq_hbm.at[w], idx_v)

        def do_half(h, carry):
            base = h * half

            def fire(j, c2):
                pltpu.make_async_copy(
                    table_hbm.at[idx_v.at[base + j]], rows_v.at[j], sem
                ).start()
                return c2

            lax.fori_loop(0, half, fire, 0)

            def drain(j, c2):
                pltpu.make_async_copy(
                    table_hbm.at[idx_v.at[base + j]], rows_v.at[j], sem
                ).wait()
                return c2

            lax.fori_loop(0, half, drain, 0)
            pltpu.sync_copy(rows_v, out_hbm.at[w].at[pl.ds(base, half)])
            return carry

        lax.fori_loop(0, 2, do_half, 0)

    return sc_gather


def _table_body(c0_ref, c1_ref, c2_ref, c3_ref, m_ref, o_ref):
    s = jnp.concatenate(
        [jax.nn.sigmoid(c0_ref[...]), jax.nn.sigmoid(c1_ref[...]),
         jax.nn.sigmoid(c2_ref[...]), jax.nn.sigmoid(c3_ref[...])],
        axis=1)
    for g in range(8):
        o_ref[:, g, :] = jnp.dot(s, m_ref[g],
                                 preferred_element_type=jnp.float32)


def _table_call(cols, mbig):
    blk = 512
    n = cols[0].shape[0]
    return pl.pallas_call(
        _table_body,
        grid=(n // blk,),
        in_specs=[pl.BlockSpec((blk, 128), lambda i: (i, 0))] * 4
        + [pl.BlockSpec(mbig.shape, lambda i: (0, 0, 0))],
        out_specs=pl.BlockSpec((blk, 8, 128), lambda i: (i, 0, 0)),
        out_shape=jax.ShapeDtypeStruct((n, 8, 128), jnp.float32),
    )(*cols, mbig)


def _tc_body(g_ref, w_ref, o_ref):
    x = jnp.dot(g_ref[...], w_ref[...], preferred_element_type=jnp.float32)
    z = -2.0 * x
    o_ref[...] = -(jnp.maximum(z, 0.0) + jnp.log1p(jnp.exp(-jnp.abs(z))))


def _tc_call(g2, wp):
    n = g2.shape[0]
    blk = 3200
    return pl.pallas_call(
        _tc_body,
        grid=(n // blk,),
        in_specs=[
            pl.BlockSpec((blk, 128), lambda i: (i, 0)),
            pl.BlockSpec(wp.shape, lambda i: (0, 0)),
        ],
        out_specs=pl.BlockSpec((blk, 512), lambda i: (i, 0)),
        out_shape=jax.ShapeDtypeStruct((n, 512), jnp.float32),
    )(g2, wp)


def kernel(problem_seq, skill_offset, skill_slope, membership_logits, decoder):
    b, t = problem_seq.shape
    n_problems, k = membership_logits.shape
    n_states = decoder.shape[0]

    info = plsc.get_sparse_core_info()
    nc, ns = info.num_cores, info.num_subcores
    nw = nc * ns
    n = b * t
    nchunks = n // (nw * _CHUNK)

    state_logits = skill_offset[None, :] + skill_slope[None, :] * decoder
    st_t = state_logits.T
    sp = jnp.stack([-st_t, st_t], axis=-1).reshape(k, 2 * n_states)
    w8 = jnp.concatenate([sp, jnp.zeros_like(sp)], axis=0)
    wp = jnp.kron(jnp.eye(16, dtype=w8.dtype), w8)

    mbig_np = np.zeros((8, 4 * 128, 128), dtype=np.float32)
    for c in range(4):
        for l in range(128):
            mbig_np[l // 16, c * 128 + l, 8 * (l % 16) + c] = 1.0
    mbig = jnp.asarray(mbig_np)

    cols = [
        jnp.pad(membership_logits[:, c], (0, _PPAD - n_problems)).reshape(
            _PPAD // 128, 128)
        for c in range(k)
    ]
    table8 = _table_call(cols, mbig).reshape(_PPAD, 2 * k)

    nh = 2
    seq = problem_seq.reshape(nh, nw, nchunks // nh, _CHUNK).astype(jnp.int32)
    gather_fn = _make_sc_gather(nw, nc, nchunks // nh, 2 * k)
    planes = []
    for h in range(nh):
        gathered = gather_fn(seq[h], table8)
        g2 = gathered.reshape(n // (16 * nh), 128)
        o = _tc_call(g2, wp)
        planes.append(o.reshape(b // nh, t * n_states * 2).T)

    ot = jnp.concatenate(planes, axis=1)
    return ot.reshape(t, n_states, 2, b).transpose(3, 0, 1, 2)

# --- scband reference (transcript-rebuilt; emitter-appended) ---
"""Pipeline reference for scband-nidolayer-62036507623988 (READ-ONLY COPY).

The authoritative reference and input builder live on the scoring server;
editing this copy changes nothing except your own understanding.
"""

import jax, jax.numpy as jnp
import numpy as np

N_PROBLEMS = 1000000
N_SKILLS = 4
N_STATES = 16
BATCH = 4096
T = 200

def setup_inputs(seed: int = 0) -> dict:
    key = jax.random.key(seed)
    k1, k2, k3, k4 = jax.random.split(key, 4)
    decoder = jnp.array([[(i >> (N_SKILLS - 1 - j)) & 1 for j in range(N_SKILLS)] for i in range(N_STATES)], dtype=jnp.float32)
    return {
        "problem_seq": jax.random.randint(k1, (BATCH, T), 0, N_PROBLEMS),
        "skill_offset": jax.random.normal(k2, (N_SKILLS,), dtype=jnp.float32),
        "skill_slope": jax.random.normal(k3, (N_SKILLS,), dtype=jnp.float32),
        "membership_logits": jax.random.normal(k4, (N_PROBLEMS, N_SKILLS), dtype=jnp.float32),
        "decoder": decoder,
    }

def reference(problem_seq, skill_offset, skill_slope, membership_logits, decoder):
    # state_logits: [n_states, n_skills]
    state_logits = skill_offset[None, :] + skill_slope[None, :] * decoder
    # membership_probs: [n_problems, n_skills]
    membership_probs = jax.nn.sigmoid(membership_logits)
    # problem_logits: [n_problems, n_states]
    problem_logits = membership_probs @ state_logits.T
    # gather: [batch, t, n_states]
    obs_correct_logits = jnp.take(problem_logits, problem_seq, axis=0)
    pair = jnp.concatenate((-obs_correct_logits[:, :, :, None], obs_correct_logits[:, :, :, None]), axis=3)
    obs_log_probs = jax.nn.log_softmax(pair, axis=3)
    return obs_log_probs

if __name__ == "__main__":
    import jax
    _d = setup_inputs()
    print(jax.jit(kernel)(*tuple(_d.values())))

</pallas_src>

<mosaic_0001>
#map = affine_map<(d0, d1) -> (0, 0, 0)>
#map1 = affine_map<(d0, d1) -> (0, 0)>
#map2 = affine_map<(d0, d1) -> (0, 0, 0, 0)>
module attributes {stable_mosaic.version = 14 : i64} {
  func.func @sc_gather(%arg0: i32, %arg1: i32, %arg2: memref<32x100x128xi32, #tpu.memory_space<hbm>>, %arg3: memref<1048576x8xf32, #tpu.memory_space<hbm>>, %arg4: memref<32x100x128x8xf32, #tpu.memory_space<hbm>>, %arg5: memref<100x128xi32, #tpu.memory_space<vmem>>, %arg6: memref<50x128x8xf32, #tpu.memory_space<vmem>>, %arg7: memref<!tpu.dma_semaphore, #tpu.memory_space<semaphore_mem>>) attributes {dimension_semantics = [#tpu.dimension_semantics<core_parallel>, #tpu.dimension_semantics<subcore_parallel>], iteration_bounds = array<i64: 2, 16>, scalar_prefetch = 0 : i64, scratch_operands = 3 : i64, tpu.core_type = #tpu.core_type<sc_vector_subcore>, window_params = [{transform_indices = #map}, {transform_indices = #map1}, {transform_indices = #map2}]} {
    %mul3A = arith.constant 2 : i32
    %mul3A_0 = arith.muli %arg1, %mul3A : i32
    %add3A = arith.addi %mul3A_0, %arg0 : i32
    "tpu.region"() ({
      %run_scoped3A = tpu.sem_alloc : memref<!tpu.dma_semaphore, #tpu.memory_space<semaphore_mem>>
      %dma_start3A = arith.constant 0 : i32
      %dma_start3A_6 = arith.constant 0 : i32
      %dma_start3A_7 = tpu.memref_slice %arg2[%add3A, %dma_start3A, %dma_start3A_6] : memref<32x100x128xi32, #tpu.memory_space<hbm>> -> memref<1x100x128xi32, #tpu.memory_space<hbm>>
      %dma_start3A_8 = tpu.memref_squeeze %dma_start3A_7 : memref<1x100x128xi32, #tpu.memory_space<hbm>> -> memref<100x128xi32, #tpu.memory_space<hbm>>
      %dma_start3A_9 = arith.constant 0 : i32
      %dma_start3A_10 = arith.constant 0 : i32
      %dma_start3A_11 = tpu.memref_slice %arg2[%add3A, %dma_start3A_9, %dma_start3A_10] : memref<32x100x128xi32, #tpu.memory_space<hbm>> -> memref<1x100x128xi32, #tpu.memory_space<hbm>>
      %dma_start3A_12 = tpu.memref_squeeze %dma_start3A_11 : memref<1x100x128xi32, #tpu.memory_space<hbm>> -> memref<100x128xi32, #tpu.memory_space<hbm>>
      tpu.enqueue_dma source(%dma_start3A_12 : memref<100x128xi32, #tpu.memory_space<hbm>>) target(%arg5 : memref<100x128xi32, #tpu.memory_space<vmem>>) target_semaphore(%run_scoped3A : memref<!tpu.dma_semaphore, #tpu.memory_space<semaphore_mem>>)
      %dma_wait3A = arith.constant 0 : i32
      %dma_wait3A_13 = arith.constant 0 : i32
      %dma_wait3A_14 = tpu.memref_slice %arg2[%add3A, %dma_wait3A, %dma_wait3A_13] : memref<32x100x128xi32, #tpu.memory_space<hbm>> -> memref<1x100x128xi32, #tpu.memory_space<hbm>>
      %dma_wait3A_15 = tpu.memref_squeeze %dma_wait3A_14 : memref<1x100x128xi32, #tpu.memory_space<hbm>> -> memref<100x128xi32, #tpu.memory_space<hbm>>
      %dma_wait3A_16 = arith.constant 0 : i32
      %dma_wait3A_17 = arith.constant 0 : i32
      %dma_wait3A_18 = tpu.memref_slice %arg2[%add3A, %dma_wait3A_16, %dma_wait3A_17] : memref<32x100x128xi32, #tpu.memory_space<hbm>> -> memref<1x100x128xi32, #tpu.memory_space<hbm>>
      %dma_wait3A_19 = tpu.memref_squeeze %dma_wait3A_18 : memref<1x100x128xi32, #tpu.memory_space<hbm>> -> memref<100x128xi32, #tpu.memory_space<hbm>>
      tpu.wait_dma2 semaphore(%run_scoped3A : memref<!tpu.dma_semaphore, #tpu.memory_space<semaphore_mem>>) src(%dma_wait3A_19 : memref<100x128xi32, #tpu.memory_space<hbm>>) dst(%arg5 : memref<100x128xi32, #tpu.memory_space<vmem>>)
      tpu.yield
    }) : () -> ()
    %scan3A = arith.constant 0 : i32
    %scan3A_1 = arith.constant 0 : i32
    %scan3A_2 = arith.constant 2 : i32
    %scan3A_3 = arith.addi %scan3A_1, %scan3A_2 : i32
    %scan3A_4 = arith.constant 1 : i32
    scf.for %scan3A_6 = %scan3A_1 to %scan3A_3 step %scan3A_4  : i32 {
      %mul3A_7 = arith.constant 50 : i32
      %mul3A_8 = arith.muli %scan3A_6, %mul3A_7 : i32
      %scan3A_9 = arith.constant 0 : i32
      %scan3A_10 = arith.constant 0 : i32
      %scan3A_11 = arith.constant 50 : i32
      %scan3A_12 = arith.addi %scan3A_10, %scan3A_11 : i32
      %scan3A_13 = arith.constant 1 : i32
      scf.for %scan3A_21 = %scan3A_10 to %scan3A_12 step %scan3A_13  : i32 {
        %add3A_22 = arith.addi %mul3A_8, %scan3A_21 : i32
        %dma_start3A = arith.constant 0 : i32
        %dma_start3A_23 = arith.constant 0 : i32
        %dma_start3A_24 = tpu.memref_slice %arg6[%scan3A_21, %dma_start3A, %dma_start3A_23] : memref<50x128x8xf32, #tpu.memory_space<vmem>> -> memref<1x128x8xf32, #tpu.memory_space<vmem>>
        %dma_start3A_25 = tpu.memref_squeeze %dma_start3A_24 : memref<1x128x8xf32, #tpu.memory_space<vmem>> -> memref<128x8xf32, #tpu.memory_space<vmem>>
        %dma_start3A_26 = arith.constant 0 : i32
        %dma_start3A_27 = tpu.memref_slice %arg5[%add3A_22, %dma_start3A_26] : memref<100x128xi32, #tpu.memory_space<vmem>> -> memref<1x128xi32, #tpu.memory_space<vmem>>
        %dma_start3A_28 = tpu.memref_squeeze %dma_start3A_27 : memref<1x128xi32, #tpu.memory_space<vmem>> -> memref<128xi32, #tpu.memory_space<vmem>>
        %dma_start3A_29 = arith.constant 0 : i32
        %dma_start3A_30 = arith.constant 0 : i32
        %dma_start3A_31 = tpu.memref_slice %arg3[%dma_start3A_29, %dma_start3A_30] : memref<1048576x8xf32, #tpu.memory_space<hbm>> -> memref<1048576x8xf32, #tpu.memory_space<hbm>>
        tpu.enqueue_indirect_dma source(%dma_start3A_31 : memref<1048576x8xf32, #tpu.memory_space<hbm>>) target(%dma_start3A_25 : memref<128x8xf32, #tpu.memory_space<vmem>>) offsets(%dma_start3A_28 : memref<128xi32, #tpu.memory_space<vmem>>) semaphore(%arg7 : memref<!tpu.dma_semaphore, #tpu.memory_space<semaphore_mem>>)
      }
      %scan3A_14 = arith.constant 50 : i32
      %scan3A_15 = arith.constant 0 : i32
      %scan3A_16 = arith.constant 0 : i32
      %scan3A_17 = arith.constant 50 : i32
      %scan3A_18 = arith.addi %scan3A_16, %scan3A_17 : i32
      %scan3A_19 = arith.constant 1 : i32
      scf.for %scan3A_21 = %scan3A_16 to %scan3A_18 step %scan3A_19  : i32 {
        %add3A_22 = arith.addi %mul3A_8, %scan3A_21 : i32
        %dma_wait3A = arith.constant 0 : i32
        %dma_wait3A_23 = arith.constant 0 : i32
        %dma_wait3A_24 = tpu.memref_slice %arg6[%scan3A_21, %dma_wait3A, %dma_wait3A_23] : memref<50x128x8xf32, #tpu.memory_space<vmem>> -> memref<1x128x8xf32, #tpu.memory_space<vmem>>
        %dma_wait3A_25 = tpu.memref_squeeze %dma_wait3A_24 : memref<1x128x8xf32, #tpu.memory_space<vmem>> -> memref<128x8xf32, #tpu.memory_space<vmem>>
        %dma_wait3A_26 = arith.constant 0 : i32
        %dma_wait3A_27 = tpu.memref_slice %arg5[%add3A_22, %dma_wait3A_26] : memref<100x128xi32, #tpu.memory_space<vmem>> -> memref<1x128xi32, #tpu.memory_space<vmem>>
        %dma_wait3A_28 = tpu.memref_squeeze %dma_wait3A_27 : memref<1x128xi32, #tpu.memory_space<vmem>> -> memref<128xi32, #tpu.memory_space<vmem>>
        %dma_wait3A_29 = arith.constant 0 : i32
        %dma_wait3A_30 = arith.constant 0 : i32
        %dma_wait3A_31 = tpu.memref_slice %arg3[%dma_wait3A_29, %dma_wait3A_30] : memref<1048576x8xf32, #tpu.memory_space<hbm>> -> memref<1048576x8xf32, #tpu.memory_space<hbm>>
        tpu.wait_indirect_dma semaphore(%arg7 : memref<!tpu.dma_semaphore, #tpu.memory_space<semaphore_mem>>) src(%dma_wait3A_31 : memref<1048576x8xf32, #tpu.memory_space<hbm>>) dst(%dma_wait3A_25 : memref<128x8xf32, #tpu.memory_space<vmem>>)
      }
      %scan3A_20 = arith.constant 50 : i32
      "tpu.region"() ({
        %run_scoped3A = tpu.sem_alloc : memref<!tpu.dma_semaphore, #tpu.memory_space<semaphore_mem>>
        %dma_start3A = arith.constant 0 : i32
        %dma_start3A_21 = arith.constant 0 : i32
        %dma_start3A_22 = arith.constant 0 : i32
        %dma_start3A_23 = tpu.memref_slice %arg4[%add3A, %dma_start3A, %dma_start3A_21, %dma_start3A_22] : memref<32x100x128x8xf32, #tpu.memory_space<hbm>> -> memref<1x100x128x8xf32, #tpu.memory_space<hbm>>
        %dma_start3A_24 = tpu.memref_squeeze %dma_start3A_23 : memref<1x100x128x8xf32, #tpu.memory_space<hbm>> -> memref<100x128x8xf32, #tpu.memory_space<hbm>>
        %dma_start3A_25 = arith.constant 0 : i32
        %dma_start3A_26 = arith.constant 0 : i32
        %dma_start3A_27 = tpu.memref_slice %dma_start3A_24[%mul3A_8, %dma_start3A_25, %dma_start3A_26] : memref<100x128x8xf32, #tpu.memory_space<hbm>> -> memref<50x128x8xf32, #tpu.memory_space<hbm>>
        %dma_start3A_28 = arith.constant 0 : i32
        %dma_start3A_29 = arith.constant 0 : i32
        %dma_start3A_30 = arith.constant 0 : i32
        %dma_start3A_31 = tpu.memref_slice %arg4[%add3A, %dma_start3A_28, %dma_start3A_29, %dma_start3A_30] : memref<32x100x128x8xf32, #tpu.memory_space<hbm>> -> memref<1x100x128x8xf32, #tpu.memory_space<hbm>>
        %dma_start3A_32 = tpu.memref_squeeze %dma_start3A_31 : memref<1x100x128x8xf32, #tpu.memory_space<hbm>> -> memref<100x128x8xf32, #tpu.memory_space<hbm>>
        %dma_start3A_33 = arith.constant 0 : i32
        %dma_start3A_34 = arith.constant 0 : i32
        %dma_start3A_35 = tpu.memref_slice %dma_start3A_32[%mul3A_8, %dma_start3A_33, %dma_start3A_34] : memref<100x128x8xf32, #tpu.memory_space<hbm>> -> memref<50x128x8xf32, #tpu.memory_space<hbm>>
        tpu.enqueue_dma source(%arg6 : memref<50x128x8xf32, #tpu.memory_space<vmem>>) target(%dma_start3A_35 : memref<50x128x8xf32, #tpu.memory_space<hbm>>) target_semaphore(%run_scoped3A : memref<!tpu.dma_semaphore, #tpu.memory_space<semaphore_mem>>)
        %dma_wait3A = arith.constant 0 : i32
        %dma_wait3A_36 = arith.constant 0 : i32
        %dma_wait3A_37 = arith.constant 0 : i32
        %dma_wait3A_38 = tpu.memref_slice %arg4[%add3A, %dma_wait3A, %dma_wait3A_36, %dma_wait3A_37] : memref<32x100x128x8xf32, #tpu.memory_space<hbm>> -> memref<1x100x128x8xf32, #tpu.memory_space<hbm>>
        %dma_wait3A_39 = tpu.memref_squeeze %dma_wait3A_38 : memref<1x100x128x8xf32, #tpu.memory_space<hbm>> -> memref<100x128x8xf32, #tpu.memory_space<hbm>>
        %dma_wait3A_40 = arith.constant 0 : i32
        %dma_wait3A_41 = arith.constant 0 : i32
        %dma_wait3A_42 = tpu.memref_slice %dma_wait3A_39[%mul3A_8, %dma_wait3A_40, %dma_wait3A_41] : memref<100x128x8xf32, #tpu.memory_space<hbm>> -> memref<50x128x8xf32, #tpu.memory_space<hbm>>
        %dma_wait3A_43 = arith.constant 0 : i32
        %dma_wait3A_44 = arith.constant 0 : i32
        %dma_wait3A_45 = arith.constant 0 : i32
        %dma_wait3A_46 = tpu.memref_slice %arg4[%add3A, %dma_wait3A_43, %dma_wait3A_44, %dma_wait3A_45] : memref<32x100x128x8xf32, #tpu.memory_space<hbm>> -> memref<1x100x128x8xf32, #tpu.memory_space<hbm>>
        %dma_wait3A_47 = tpu.memref_squeeze %dma_wait3A_46 : memref<1x100x128x8xf32, #tpu.memory_space<hbm>> -> memref<100x128x8xf32, #tpu.memory_space<hbm>>
        %dma_wait3A_48 = arith.constant 0 : i32
        %dma_wait3A_49 = arith.constant 0 : i32
        %dma_wait3A_50 = tpu.memref_slice %dma_wait3A_47[%mul3A_8, %dma_wait3A_48, %dma_wait3A_49] : memref<100x128x8xf32, #tpu.memory_space<hbm>> -> memref<50x128x8xf32, #tpu.memory_space<hbm>>
        tpu.wait_dma2 semaphore(%run_scoped3A : memref<!tpu.dma_semaphore, #tpu.memory_space<semaphore_mem>>) src(%arg6 : memref<50x128x8xf32, #tpu.memory_space<vmem>>) dst(%dma_wait3A_50 : memref<50x128x8xf32, #tpu.memory_space<hbm>>)
        tpu.yield
      }) : () -> ()
    }
    %scan3A_5 = arith.constant 2 : i32
    return
  }
}

#map = affine_map<(d0, d1) -> (0, 0, 0)>
#map1 = affine_map<(d0, d1) -> (0, 0)>
#map2 = affine_map<(d0, d1) -> (0, 0, 0, 0)>
module attributes {stable_mosaic.version = 14 : i64} {
  func.func @sc_gather(%arg0: i32, %arg1: i32, %arg2: memref<32x100x128xi32, #tpu.memory_space<hbm>>, %arg3: memref<1048576x8xf32, #tpu.memory_space<hbm>>, %arg4: memref<32x100x128x8xf32, #tpu.memory_space<hbm>>, %arg5: memref<100x128xi32, #tpu.memory_space<vmem>>, %arg6: memref<50x128x8xf32, #tpu.memory_space<vmem>>, %arg7: memref<!tpu.dma_semaphore, #tpu.memory_space<semaphore_mem>>) attributes {dimension_semantics = [#tpu.dimension_semantics<core_parallel>, #tpu.dimension_semantics<subcore_parallel>], iteration_bounds = array<i64: 2, 16>, scalar_prefetch = 0 : i64, scratch_operands = 3 : i64, tpu.core_type = #tpu.core_type<sc_vector_subcore>, window_params = [{transform_indices = #map}, {transform_indices = #map1}, {transform_indices = #map2}]} {
    %mul3A = arith.constant 2 : i32
    %mul3A_0 = arith.muli %arg1, %mul3A : i32
    %add3A = arith.addi %mul3A_0, %arg0 : i32
    "tpu.region"() ({
      %run_scoped3A = tpu.sem_alloc : memref<!tpu.dma_semaphore, #tpu.memory_space<semaphore_mem>>
      %dma_start3A = arith.constant 0 : i32
      %dma_start3A_6 = arith.constant 0 : i32
      %dma_start3A_7 = tpu.memref_slice %arg2[%add3A, %dma_start3A, %dma_start3A_6] : memref<32x100x128xi32, #tpu.memory_space<hbm>> -> memref<1x100x128xi32, #tpu.memory_space<hbm>>
      %dma_start3A_8 = tpu.memref_squeeze %dma_start3A_7 : memref<1x100x128xi32, #tpu.memory_space<hbm>> -> memref<100x128xi32, #tpu.memory_space<hbm>>
      %dma_start3A_9 = arith.constant 0 : i32
      %dma_start3A_10 = arith.constant 0 : i32
      %dma_start3A_11 = tpu.memref_slice %arg2[%add3A, %dma_start3A_9, %dma_start3A_10] : memref<32x100x128xi32, #tpu.memory_space<hbm>> -> memref<1x100x128xi32, #tpu.memory_space<hbm>>
      %dma_start3A_12 = tpu.memref_squeeze %dma_start3A_11 : memref<1x100x128xi32, #tpu.memory_space<hbm>> -> memref<100x128xi32, #tpu.memory_space<hbm>>
      tpu.enqueue_dma source(%dma_start3A_12 : memref<100x128xi32, #tpu.memory_space<hbm>>) target(%arg5 : memref<100x128xi32, #tpu.memory_space<vmem>>) target_semaphore(%run_scoped3A : memref<!tpu.dma_semaphore, #tpu.memory_space<semaphore_mem>>)
      %dma_wait3A = arith.constant 0 : i32
      %dma_wait3A_13 = arith.constant 0 : i32
      %dma_wait3A_14 = tpu.memref_slice %arg2[%add3A, %dma_wait3A, %dma_wait3A_13] : memref<32x100x128xi32, #tpu.memory_space<hbm>> -> memref<1x100x128xi32, #tpu.memory_space<hbm>>
      %dma_wait3A_15 = tpu.memref_squeeze %dma_wait3A_14 : memref<1x100x128xi32, #tpu.memory_space<hbm>> -> memref<100x128xi32, #tpu.memory_space<hbm>>
      %dma_wait3A_16 = arith.constant 0 : i32
      %dma_wait3A_17 = arith.constant 0 : i32
      %dma_wait3A_18 = tpu.memref_slice %arg2[%add3A, %dma_wait3A_16, %dma_wait3A_17] : memref<32x100x128xi32, #tpu.memory_space<hbm>> -> memref<1x100x128xi32, #tpu.memory_space<hbm>>
      %dma_wait3A_19 = tpu.memref_squeeze %dma_wait3A_18 : memref<1x100x128xi32, #tpu.memory_space<hbm>> -> memref<100x128xi32, #tpu.memory_space<hbm>>
      tpu.wait_dma2 semaphore(%run_scoped3A : memref<!tpu.dma_semaphore, #tpu.memory_space<semaphore_mem>>) src(%dma_wait3A_19 : memref<100x128xi32, #tpu.memory_space<hbm>>) dst(%arg5 : memref<100x128xi32, #tpu.memory_space<vmem>>)
      tpu.yield
    }) : () -> ()
    %scan3A = arith.constant 0 : i32
    %scan3A_1 = arith.constant 0 : i32
    %scan3A_2 = arith.constant 2 : i32
    %scan3A_3 = arith.addi %scan3A_1, %scan3A_2 : i32
    %scan3A_4 = arith.constant 1 : i32
    scf.for %scan3A_6 = %scan3A_1 to %scan3A_3 step %scan3A_4  : i32 {
      %mul3A_7 = arith.constant 50 : i32
      %mul3A_8 = arith.muli %scan3A_6, %mul3A_7 : i32
      %scan3A_9 = arith.constant 0 : i32
      %scan3A_10 = arith.constant 0 : i32
      %scan3A_11 = arith.constant 50 : i32
      %scan3A_12 = arith.addi %scan3A_10, %scan3A_11 : i32
      %scan3A_13 = arith.constant 1 : i32
      scf.for %scan3A_21 = %scan3A_10 to %scan3A_12 step %scan3A_13  : i32 {
        %add3A_22 = arith.addi %mul3A_8, %scan3A_21 : i32
        %dma_start3A = arith.constant 0 : i32
        %dma_start3A_23 = arith.constant 0 : i32
        %dma_start3A_24 = tpu.memref_slice %arg6[%scan3A_21, %dma_start3A, %dma_start3A_23] : memref<50x128x8xf32, #tpu.memory_space<vmem>> -> memref<1x128x8xf32, #tpu.memory_space<vmem>>
        %dma_start3A_25 = tpu.memref_squeeze %dma_start3A_24 : memref<1x128x8xf32, #tpu.memory_space<vmem>> -> memref<128x8xf32, #tpu.memory_space<vmem>>
        %dma_start3A_26 = arith.constant 0 : i32
        %dma_start3A_27 = tpu.memref_slice %arg5[%add3A_22, %dma_start3A_26] : memref<100x128xi32, #tpu.memory_space<vmem>> -> memref<1x128xi32, #tpu.memory_space<vmem>>
        %dma_start3A_28 = tpu.memref_squeeze %dma_start3A_27 : memref<1x128xi32, #tpu.memory_space<vmem>> -> memref<128xi32, #tpu.memory_space<vmem>>
        %dma_start3A_29 = arith.constant 0 : i32
        %dma_start3A_30 = arith.constant 0 : i32
        %dma_start3A_31 = tpu.memref_slice %arg3[%dma_start3A_29, %dma_start3A_30] : memref<1048576x8xf32, #tpu.memory_space<hbm>> -> memref<1048576x8xf32, #tpu.memory_space<hbm>>
        tpu.enqueue_indirect_dma source(%dma_start3A_31 : memref<1048576x8xf32, #tpu.memory_space<hbm>>) target(%dma_start3A_25 : memref<128x8xf32, #tpu.memory_space<vmem>>) offsets(%dma_start3A_28 : memref<128xi32, #tpu.memory_space<vmem>>) semaphore(%arg7 : memref<!tpu.dma_semaphore, #tpu.memory_space<semaphore_mem>>)
      }
      %scan3A_14 = arith.constant 50 : i32
      %scan3A_15 = arith.constant 0 : i32
      %scan3A_16 = arith.constant 0 : i32
      %scan3A_17 = arith.constant 50 : i32
      %scan3A_18 = arith.addi %scan3A_16, %scan3A_17 : i32
      %scan3A_19 = arith.constant 1 : i32
      scf.for %scan3A_21 = %scan3A_16 to %scan3A_18 step %scan3A_19  : i32 {
        %add3A_22 = arith.addi %mul3A_8, %scan3A_21 : i32
        %dma_wait3A = arith.constant 0 : i32
        %dma_wait3A_23 = arith.constant 0 : i32
        %dma_wait3A_24 = tpu.memref_slice %arg6[%scan3A_21, %dma_wait3A, %dma_wait3A_23] : memref<50x128x8xf32, #tpu.memory_space<vmem>> -> memref<1x128x8xf32, #tpu.memory_space<vmem>>
        %dma_wait3A_25 = tpu.memref_squeeze %dma_wait3A_24 : memref<1x128x8xf32, #tpu.memory_space<vmem>> -> memref<128x8xf32, #tpu.memory_space<vmem>>
        %dma_wait3A_26 = arith.constant 0 : i32
        %dma_wait3A_27 = tpu.memref_slice %arg5[%add3A_22, %dma_wait3A_26] : memref<100x128xi32, #tpu.memory_space<vmem>> -> memref<1x128xi32, #tpu.memory_space<vmem>>
        %dma_wait3A_28 = tpu.memref_squeeze %dma_wait3A_27 : memref<1x128xi32, #tpu.memory_space<vmem>> -> memref<128xi32, #tpu.memory_space<vmem>>
        %dma_wait3A_29 = arith.constant 0 : i32
        %dma_wait3A_30 = arith.constant 0 : i32
        %dma_wait3A_31 = tpu.memref_slice %arg3[%dma_wait3A_29, %dma_wait3A_30] : memref<1048576x8xf32, #tpu.memory_space<hbm>> -> memref<1048576x8xf32, #tpu.memory_space<hbm>>
        tpu.wait_indirect_dma semaphore(%arg7 : memref<!tpu.dma_semaphore, #tpu.memory_space<semaphore_mem>>) src(%dma_wait3A_31 : memref<1048576x8xf32, #tpu.memory_space<hbm>>) dst(%dma_wait3A_25 : memref<128x8xf32, #tpu.memory_space<vmem>>)
      }
      %scan3A_20 = arith.constant 50 : i32
      "tpu.region"() ({
        %run_scoped3A = tpu.sem_alloc : memref<!tpu.dma_semaphore, #tpu.memory_space<semaphore_mem>>
        %dma_start3A = arith.constant 0 : i32
        %dma_start3A_21 = arith.constant 0 : i32
        %dma_start3A_22 = arith.constant 0 : i32
        %dma_start3A_23 = tpu.memref_slice %arg4[%add3A, %dma_start3A, %dma_start3A_21, %dma_start3A_22] : memref<32x100x128x8xf32, #tpu.memory_space<hbm>> -> memref<1x100x128x8xf32, #tpu.memory_space<hbm>>
        %dma_start3A_24 = tpu.memref_squeeze %dma_start3A_23 : memref<1x100x128x8xf32, #tpu.memory_space<hbm>> -> memref<100x128x8xf32, #tpu.memory_space<hbm>>
        %dma_start3A_25 = arith.constant 0 : i32
        %dma_start3A_26 = arith.constant 0 : i32
        %dma_start3A_27 = tpu.memref_slice %dma_start3A_24[%mul3A_8, %dma_start3A_25, %dma_start3A_26] : memref<100x128x8xf32, #tpu.memory_space<hbm>> -> memref<50x128x8xf32, #tpu.memory_space<hbm>>
        %dma_start3A_28 = arith.constant 0 : i32
        %dma_start3A_29 = arith.constant 0 : i32
        %dma_start3A_30 = arith.constant 0 : i32
        %dma_start3A_31 = tpu.memref_slice %arg4[%add3A, %dma_start3A_28, %dma_start3A_29, %dma_start3A_30] : memref<32x100x128x8xf32, #tpu.memory_space<hbm>> -> memref<1x100x128x8xf32, #tpu.memory_space<hbm>>
        %dma_start3A_32 = tpu.memref_squeeze %dma_start3A_31 : memref<1x100x128x8xf32, #tpu.memory_space<hbm>> -> memref<100x128x8xf32, #tpu.memory_space<hbm>>
        %dma_start3A_33 = arith.constant 0 : i32
        %dma_start3A_34 = arith.constant 0 : i32
        %dma_start3A_35 = tpu.memref_slice %dma_start3A_32[%mul3A_8, %dma_start3A_33, %dma_start3A_34] : memref<100x128x8xf32, #tpu.memory_space<hbm>> -> memref<50x128x8xf32, #tpu.memory_space<hbm>>
        tpu.enqueue_dma source(%arg6 : memref<50x128x8xf32, #tpu.memory_space<vmem>>) target(%dma_start3A_35 : memref<50x128x8xf32, #tpu.memory_space<hbm>>) target_semaphore(%run_scoped3A : memref<!tpu.dma_semaphore, #tpu.memory_space<semaphore_mem>>)
        %dma_wait3A = arith.constant 0 : i32
        %dma_wait3A_36 = arith.constant 0 : i32
        %dma_wait3A_37 = arith.constant 0 : i32
        %dma_wait3A_38 = tpu.memref_slice %arg4[%add3A, %dma_wait3A, %dma_wait3A_36, %dma_wait3A_37] : memref<32x100x128x8xf32, #tpu.memory_space<hbm>> -> memref<1x100x128x8xf32, #tpu.memory_space<hbm>>
        %dma_wait3A_39 = tpu.memref_squeeze %dma_wait3A_38 : memref<1x100x128x8xf32, #tpu.memory_space<hbm>> -> memref<100x128x8xf32, #tpu.memory_space<hbm>>
        %dma_wait3A_40 = arith.constant 0 : i32
        %dma_wait3A_41 = arith.constant 0 : i32
        %dma_wait3A_42 = tpu.memref_slice %dma_wait3A_39[%mul3A_8, %dma_wait3A_40, %dma_wait3A_41] : memref<100x128x8xf32, #tpu.memory_space<hbm>> -> memref<50x128x8xf32, #tpu.memory_space<hbm>>
        %dma_wait3A_43 = arith.constant 0 : i32
        %dma_wait3A_44 = arith.constant 0 : i32
        %dma_wait3A_45 = arith.constant 0 : i32
        %dma_wait3A_46 = tpu.memref_slice %arg4[%add3A, %dma_wait3A_43, %dma_wait3A_44, %dma_wait3A_45] : memref<32x100x128x8xf32, #tpu.memory_space<hbm>> -> memref<1x100x128x8xf32, #tpu.memory_space<hbm>>
        %dma_wait3A_47 = tpu.memref_squeeze %dma_wait3A_46 : memref<1x100x128x8xf32, #tpu.memory_space<hbm>> -> memref<100x128x8xf32, #tpu.memory_space<hbm>>
        %dma_wait3A_48 = arith.constant 0 : i32
        %dma_wait3A_49 = arith.constant 0 : i32
        %dma_wait3A_50 = tpu.memref_slice %dma_wait3A_47[%mul3A_8, %dma_wait3A_48, %dma_wait3A_49] : memref<100x128x8xf32, #tpu.memory_space<hbm>> -> memref<50x128x8xf32, #tpu.memory_space<hbm>>
        tpu.wait_dma2 semaphore(%run_scoped3A : memref<!tpu.dma_semaphore, #tpu.memory_space<semaphore_mem>>) src(%arg6 : memref<50x128x8xf32, #tpu.memory_space<vmem>>) dst(%dma_wait3A_50 : memref<50x128x8xf32, #tpu.memory_space<hbm>>)
        tpu.yield
      }) : () -> ()
    }
    %scan3A_5 = arith.constant 2 : i32
    return
  }
}

module attributes {stable_mosaic.version = 14 : i64} {
  func.func @_table_body(%arg0: i32, %arg1: memref<512x128xf32, #tpu.memory_space<vmem>>, %arg2: memref<512x128xf32, #tpu.memory_space<vmem>>, %arg3: memref<512x128xf32, #tpu.memory_space<vmem>>, %arg4: memref<512x128xf32, #tpu.memory_space<vmem>>, %arg5: memref<8x512x128xf32, #tpu.memory_space<vmem>>, %arg6: memref<512x8x128xf32, #tpu.memory_space<vmem>>) attributes {dimension_semantics = [#tpu.dimension_semantics<arbitrary>], iteration_bounds = array<i64: 16>, scalar_prefetch = 0 : i64, scratch_operands = 0 : i64, tpu.core_type = #tpu.core_type<tc>, window_params = [{transform_indices = @transform_0, window_bounds = array<i64: 512, 128>}, {transform_indices = @transform_1, window_bounds = array<i64: 512, 128>}, {transform_indices = @transform_2, window_bounds = array<i64: 512, 128>}, {transform_indices = @transform_3, window_bounds = array<i64: 512, 128>}, {pipeline_mode = #tpu.pipeline_mode<synchronous>, transform_indices = @transform_4, window_bounds = array<i64: 8, 512, 128>}, {transform_indices = @transform_5, window_bounds = array<i64: 512, 8, 128>}]} {
    %get3A = arith.constant 0 : index
    %get3A_0 = arith.constant 0 : index
    %get3A_1 = vector.load %arg1[%get3A, %get3A_0] : memref<512x128xf32, #tpu.memory_space<vmem>>, vector<512x128xf32>
    %logistic3A = arith.negf %get3A_1 : vector<512x128xf32>
    %logistic3A_2 = math.exp %logistic3A : vector<512x128xf32>
    %logistic3A_3 = arith.constant 1.000000e+00 : f32
    %logistic3A_4 = vector.broadcast %logistic3A_3 : f32 to vector<512x128xf32>
    %logistic3A_5 = arith.addf %logistic3A_4, %logistic3A_2 : vector<512x128xf32>
    %logistic3A_6 = arith.divf %logistic3A_4, %logistic3A_5 : vector<512x128xf32>
    %get3A_7 = arith.constant 0 : index
    %get3A_8 = arith.constant 0 : index
    %get3A_9 = vector.load %arg2[%get3A_7, %get3A_8] : memref<512x128xf32, #tpu.memory_space<vmem>>, vector<512x128xf32>
    %logistic3A_10 = arith.negf %get3A_9 : vector<512x128xf32>
    %logistic3A_11 = math.exp %logistic3A_10 : vector<512x128xf32>
    %logistic3A_12 = arith.constant 1.000000e+00 : f32
    %logistic3A_13 = vector.broadcast %logistic3A_12 : f32 to vector<512x128xf32>
    %logistic3A_14 = arith.addf %logistic3A_13, %logistic3A_11 : vector<512x128xf32>
    %logistic3A_15 = arith.divf %logistic3A_13, %logistic3A_14 : vector<512x128xf32>
    %get3A_16 = arith.constant 0 : index
    %get3A_17 = arith.constant 0 : index
    %get3A_18 = vector.load %arg3[%get3A_16, %get3A_17] : memref<512x128xf32, #tpu.memory_space<vmem>>, vector<512x128xf32>
    %logistic3A_19 = arith.negf %get3A_18 : vector<512x128xf32>
    %logistic3A_20 = math.exp %logistic3A_19 : vector<512x128xf32>
    %logistic3A_21 = arith.constant 1.000000e+00 : f32
    %logistic3A_22 = vector.broadcast %logistic3A_21 : f32 to vector<512x128xf32>
    %logistic3A_23 = arith.addf %logistic3A_22, %logistic3A_20 : vector<512x128xf32>
    %logistic3A_24 = arith.divf %logistic3A_22, %logistic3A_23 : vector<512x128xf32>
    %get3A_25 = arith.constant 0 : index
    %get3A_26 = arith.constant 0 : index
    %get3A_27 = vector.load %arg4[%get3A_25, %get3A_26] : memref<512x128xf32, #tpu.memory_space<vmem>>, vector<512x128xf32>
    %logistic3A_28 = arith.negf %get3A_27 : vector<512x128xf32>
    %logistic3A_29 = math.exp %logistic3A_28 : vector<512x128xf32>
    %logistic3A_30 = arith.constant 1.000000e+00 : f32
    %logistic3A_31 = vector.broadcast %logistic3A_30 : f32 to vector<512x128xf32>
    %logistic3A_32 = arith.addf %logistic3A_31, %logistic3A_29 : vector<512x128xf32>
    %logistic3A_33 = arith.divf %logistic3A_31, %logistic3A_32 : vector<512x128xf32>
    %concatenate3A = tpu.concatenate %logistic3A_6, %logistic3A_15, %logistic3A_24, %logistic3A_33 in 1 : vector<512x128xf32>, vector<512x128xf32>, vector<512x128xf32>, vector<512x128xf32> -> vector<512x512xf32>
    %get3A_34 = arith.constant 0 : index
    %get3A_35 = arith.constant 0 : index
    %get3A_36 = arith.constant 0 : index
    %get3A_37 = vector.load %arg5[%get3A_34, %get3A_35, %get3A_36] : memref<8x512x128xf32, #tpu.memory_space<vmem>>, vector<1x512x128xf32>
    %get3A_38 = vector.shape_cast %get3A_37 : vector<1x512x128xf32> to vector<512x128xf32>
    %dot_general3A = arith.constant dense<0.000000e+00> : vector<512x128xf32>
    %dot_general3A_39 = tpu.matmul %concatenate3A, %get3A_38, %dot_general3A {dimension_numbers = #tpu.dot_dimension_numbers<[1], [0], [0], [1], [0, 0, 1, 1], [], []>, transpose_lhs_hint = false} : vector<512x512xf32>, vector<512x128xf32>, vector<512x128xf32> -> vector<512x128xf32>
    %swap3A = arith.constant 0 : index
    %swap3A_40 = arith.constant 0 : index
    %swap3A_41 = arith.constant 0 : index
    %swap3A_42 = vector.load %arg6[%swap3A, %swap3A_40, %swap3A_41] : memref<512x8x128xf32, #tpu.memory_space<vmem>>, vector<512x1x128xf32>
    %swap3A_43 = vector.shape_cast %swap3A_42 : vector<512x1x128xf32> to vector<512x128xf32>
    %swap3A_44 = vector.shape_cast %dot_general3A_39 : vector<512x128xf32> to vector<512x1x128xf32>
    tpu.vector_store %arg6[%swap3A, %swap3A_40, %swap3A_41], %swap3A_44 {strides = array<i32>} : memref<512x8x128xf32, #tpu.memory_space<vmem>>, vector<512x1x128xf32>,
    %get3A_45 = arith.constant 1 : index
    %get3A_46 = arith.constant 0 : index
    %get3A_47 = arith.constant 0 : index
    %get3A_48 = vector.load %arg5[%get3A_45, %get3A_46, %get3A_47] : memref<8x512x128xf32, #tpu.memory_space<vmem>>, vector<1x512x128xf32>
    %get3A_49 = vector.shape_cast %get3A_48 : vector<1x512x128xf32> to vector<512x128xf32>
    %dot_general3A_50 = arith.constant dense<0.000000e+00> : vector<512x128xf32>
    %dot_general3A_51 = tpu.matmul %concatenate3A, %get3A_49, %dot_general3A_50 {dimension_numbers = #tpu.dot_dimension_numbers<[1], [0], [0], [1], [0, 0, 1, 1], [], []>, transpose_lhs_hint = false} : vector<512x512xf32>, vector<512x128xf32>, vector<512x128xf32> -> vector<512x128xf32>
    %swap3A_52 = arith.constant 0 : index
    %swap3A_53 = arith.constant 1 : index
    %swap3A_54 = arith.constant 0 : index
    %swap3A_55 = vector.load %arg6[%swap3A_52, %swap3A_53, %swap3A_54] : memref<512x8x128xf32, #tpu.memory_space<vmem>>, vector<512x1x128xf32>
    %swap3A_56 = vector.shape_cast %swap3A_55 : vector<512x1x128xf32> to vector<512x128xf32>
    %swap3A_57 = vector.shape_cast %dot_general3A_51 : vector<512x128xf32> to vector<512x1x128xf32>
    tpu.vector_store %arg6[%swap3A_52, %swap3A_53, %swap3A_54], %swap3A_57 {strides = array<i32>} : memref<512x8x128xf32, #tpu.memory_space<vmem>>, vector<512x1x128xf32>,
    %get3A_58 = arith.constant 2 : index
    %get3A_59 = arith.constant 0 : index
    %get3A_60 = arith.constant 0 : index
    %get3A_61 = vector.load %arg5[%get3A_58, %get3A_59, %get3A_60] : memref<8x512x128xf32, #tpu.memory_space<vmem>>, vector<1x512x128xf32>
    %get3A_62 = vector.shape_cast %get3A_61 : vector<1x512x128xf32> to vector<512x128xf32>
    %dot_general3A_63 = arith.constant dense<0.000000e+00> : vector<512x128xf32>
    %dot_general3A_64 = tpu.matmul %concatenate3A, %get3A_62, %dot_general3A_63 {dimension_numbers = #tpu.dot_dimension_numbers<[1], [0], [0], [1], [0, 0, 1, 1], [], []>, transpose_lhs_hint = false} : vector<512x512xf32>, vector<512x128xf32>, vector<512x128xf32> -> vector<512x128xf32>
    %swap3A_65 = arith.constant 0 : index
    %swap3A_66 = arith.constant 2 : index
    %swap3A_67 = arith.constant 0 : index
    %swap3A_68 = vector.load %arg6[%swap3A_65, %swap3A_66, %swap3A_67] : memref<512x8x128xf32, #tpu.memory_space<vmem>>, vector<512x1x128xf32>
    %swap3A_69 = vector.shape_cast %swap3A_68 : vector<512x1x128xf32> to vector<512x128xf32>
    %swap3A_70 = vector.shape_cast %dot_general3A_64 : vector<512x128xf32> to vector<512x1x128xf32>
    tpu.vector_store %arg6[%swap3A_65, %swap3A_66, %swap3A_67], %swap3A_70 {strides = array<i32>} : memref<512x8x128xf32, #tpu.memory_space<vmem>>, vector<512x1x128xf32>,
    %get3A_71 = arith.constant 3 : index
    %get3A_72 = arith.constant 0 : index
    %get3A_73 = arith.constant 0 : index
    %get3A_74 = vector.load %arg5[%get3A_71, %get3A_72, %get3A_73] : memref<8x512x128xf32, #tpu.memory_space<vmem>>, vector<1x512x128xf32>
    %get3A_75 = vector.shape_cast %get3A_74 : vector<1x512x128xf32> to vector<512x128xf32>
    %dot_general3A_76 = arith.constant dense<0.000000e+00> : vector<512x128xf32>
    %dot_general3A_77 = tpu.matmul %concatenate3A, %get3A_75, %dot_general3A_76 {dimension_numbers = #tpu.dot_dimension_numbers<[1], [0], [0], [1], [0, 0, 1, 1], [], []>, transpose_lhs_hint = false} : vector<512x512xf32>, vector<512x128xf32>, vector<512x128xf32> -> vector<512x128xf32>
    %swap3A_78 = arith.constant 0 : index
    %swap3A_79 = arith.constant 3 : index
    %swap3A_80 = arith.constant 0 : index
    %swap3A_81 = vector.load %arg6[%swap3A_78, %swap3A_79, %swap3A_80] : memref<512x8x128xf32, #tpu.memory_space<vmem>>, vector<512x1x128xf32>
    %swap3A_82 = vector.shape_cast %swap3A_81 : vector<512x1x128xf32> to vector<512x128xf32>
    %swap3A_83 = vector.shape_cast %dot_general3A_77 : vector<512x128xf32> to vector<512x1x128xf32>
    tpu.vector_store %arg6[%swap3A_78, %swap3A_79, %swap3A_80], %swap3A_83 {strides = array<i32>} : memref<512x8x128xf32, #tpu.memory_space<vmem>>, vector<512x1x128xf32>,
    %get3A_84 = arith.constant 4 : index
    %get3A_85 = arith.constant 0 : index
    %get3A_86 = arith.constant 0 : index
    %get3A_87 = vector.load %arg5[%get3A_84, %get3A_85, %get3A_86] : memref<8x512x128xf32, #tpu.memory_space<vmem>>, vector<1x512x128xf32>
    %get3A_88 = vector.shape_cast %get3A_87 : vector<1x512x128xf32> to vector<512x128xf32>
    %dot_general3A_89 = arith.constant dense<0.000000e+00> : vector<512x128xf32>
    %dot_general3A_90 = tpu.matmul %concatenate3A, %get3A_88, %dot_general3A_89 {dimension_numbers = #tpu.dot_dimension_numbers<[1], [0], [0], [1], [0, 0, 1, 1], [], []>, transpose_lhs_hint = false} : vector<512x512xf32>, vector<512x128xf32>, vector<512x128xf32> -> vector<512x128xf32>
    %swap3A_91 = arith.constant 0 : index
    %swap3A_92 = arith.constant 4 : index
    %swap3A_93 = arith.constant 0 : index
    %swap3A_94 = vector.load %arg6[%swap3A_91, %swap3A_92, %swap3A_93] : memref<512x8x128xf32, #tpu.memory_space<vmem>>, vector<512x1x128xf32>
    %swap3A_95 = vector.shape_cast %swap3A_94 : vector<512x1x128xf32> to vector<512x128xf32>
    %swap3A_96 = vector.shape_cast %dot_general3A_90 : vector<512x128xf32> to vector<512x1x128xf32>
    tpu.vector_store %arg6[%swap3A_91, %swap3A_92, %swap3A_93], %swap3A_96 {strides = array<i32>} : memref<512x8x128xf32, #tpu.memory_space<vmem>>, vector<512x1x128xf32>,
    %get3A_97 = arith.constant 5 : index
    %get3A_98 = arith.constant 0 : index
    %get3A_99 = arith.constant 0 : index
    %get3A_100 = vector.load %arg5[%get3A_97, %get3A_98, %get3A_99] : memref<8x512x128xf32, #tpu.memory_space<vmem>>, vector<1x512x128xf32>
    %get3A_101 = vector.shape_cast %get3A_100 : vector<1x512x128xf32> to vector<512x128xf32>
    %dot_general3A_102 = arith.constant dense<0.000000e+00> : vector<512x128xf32>
    %dot_general3A_103 = tpu.matmul %concatenate3A, %get3A_101, %dot_general3A_102 {dimension_numbers = #tpu.dot_dimension_numbers<[1], [0], [0], [1], [0, 0, 1, 1], [], []>, transpose_lhs_hint = false} : vector<512x512xf32>, vector<512x128xf32>, vector<512x128xf32> -> vector<512x128xf32>
    %swap3A_104 = arith.constant 0 : index
    %swap3A_105 = arith.constant 5 : index
    %swap3A_106 = arith.constant 0 : index
    %swap3A_107 = vector.load %arg6[%swap3A_104, %swap3A_105, %swap3A_106] : memref<512x8x128xf32, #tpu.memory_space<vmem>>, vector<512x1x128xf32>
    %swap3A_108 = vector.shape_cast %swap3A_107 : vector<512x1x128xf32> to vector<512x128xf32>
    %swap3A_109 = vector.shape_cast %dot_general3A_103 : vector<512x128xf32> to vector<512x1x128xf32>
    tpu.vector_store %arg6[%swap3A_104, %swap3A_105, %swap3A_106], %swap3A_109 {strides = array<i32>} : memref<512x8x128xf32, #tpu.memory_space<vmem>>, vector<512x1x128xf32>,
    %get3A_110 = arith.constant 6 : index
    %get3A_111 = arith.constant 0 : index
    %get3A_112 = arith.constant 0 : index
    %get3A_113 = vector.load %arg5[%get3A_110, %get3A_111, %get3A_112] : memref<8x512x128xf32, #tpu.memory_space<vmem>>, vector<1x512x128xf32>
    %get3A_114 = vector.shape_cast %get3A_113 : vector<1x512x128xf32> to vector<512x128xf32>
    %dot_general3A_115 = arith.constant dense<0.000000e+00> : vector<512x128xf32>
    %dot_general3A_116 = tpu.matmul %concatenate3A, %get3A_114, %dot_general3A_115 {dimension_numbers = #tpu.dot_dimension_numbers<[1], [0], [0], [1], [0, 0, 1, 1], [], []>, transpose_lhs_hint = false} : vector<512x512xf32>, vector<512x128xf32>, vector<512x128xf32> -> vector<512x128xf32>
    %swap3A_117 = arith.constant 0 : index
    %swap3A_118 = arith.constant 6 : index
    %swap3A_119 = arith.constant 0 : index
    %swap3A_120 = vector.load %arg6[%swap3A_117, %swap3A_118, %swap3A_119] : memref<512x8x128xf32, #tpu.memory_space<vmem>>, vector<512x1x128xf32>
    %swap3A_121 = vector.shape_cast %swap3A_120 : vector<512x1x128xf32> to vector<512x128xf32>
    %swap3A_122 = vector.shape_cast %dot_general3A_116 : vector<512x128xf32> to vector<512x1x128xf32>
    tpu.vector_store %arg6[%swap3A_117, %swap3A_118, %swap3A_119], %swap3A_122 {strides = array<i32>} : memref<512x8x128xf32, #tpu.memory_space<vmem>>, vector<512x1x128xf32>,
    %get3A_123 = arith.constant 7 : index
    %get3A_124 = arith.constant 0 : index
    %get3A_125 = arith.constant 0 : index
    %get3A_126 = vector.load %arg5[%get3A_123, %get3A_124, %get3A_125] : memref<8x512x128xf32, #tpu.memory_space<vmem>>, vector<1x512x128xf32>
    %get3A_127 = vector.shape_cast %get3A_126 : vector<1x512x128xf32> to vector<512x128xf32>
    %dot_general3A_128 = arith.constant dense<0.000000e+00> : vector<512x128xf32>
    %dot_general3A_129 = tpu.matmul %concatenate3A, %get3A_127, %dot_general3A_128 {dimension_numbers = #tpu.dot_dimension_numbers<[1], [0], [0], [1], [0, 0, 1, 1], [], []>, transpose_lhs_hint = false} : vector<512x512xf32>, vector<512x128xf32>, vector<512x128xf32> -> vector<512x128xf32>
    %swap3A_130 = arith.constant 0 : index
    %swap3A_131 = arith.constant 7 : index
    %swap3A_132 = arith.constant 0 : index
    %swap3A_133 = vector.load %arg6[%swap3A_130, %swap3A_131, %swap3A_132] : memref<512x8x128xf32, #tpu.memory_space<vmem>>, vector<512x1x128xf32>
    %swap3A_134 = vector.shape_cast %swap3A_133 : vector<512x1x128xf32> to vector<512x128xf32>
    %swap3A_135 = vector.shape_cast %dot_general3A_129 : vector<512x128xf32> to vector<512x1x128xf32>
    tpu.vector_store %arg6[%swap3A_130, %swap3A_131, %swap3A_132], %swap3A_135 {strides = array<i32>} : memref<512x8x128xf32, #tpu.memory_space<vmem>>, vector<512x1x128xf32>,
    return
  }
  func.func @transform_0(%arg0: i32) -> (i32, i32) {
    %c0_i32 = arith.constant 0 : i32
    %c0_i32_0 = arith.constant 0 : i32
    return %arg0, %c0_i32 : i32, i32
  }
  func.func @transform_1(%arg0: i32) -> (i32, i32) {
    %c0_i32 = arith.constant 0 : i32
    %c0_i32_0 = arith.constant 0 : i32
    return %arg0, %c0_i32 : i32, i32
  }
  func.func @transform_2(%arg0: i32) -> (i32, i32) {
    %c0_i32 = arith.constant 0 : i32
    %c0_i32_0 = arith.constant 0 : i32
    return %arg0, %c0_i32 : i32, i32
  }
  func.func @transform_3(%arg0: i32) -> (i32, i32) {
    %c0_i32 = arith.constant 0 : i32
    %c0_i32_0 = arith.constant 0 : i32
    return %arg0, %c0_i32 : i32, i32
  }
  func.func @transform_4(%arg0: i32) -> (i32, i32, i32) {
    %c0_i32 = arith.constant 0 : i32
    %c0_i32_0 = arith.constant 0 : i32
    %c0_i32_1 = arith.constant 0 : i32
    %c0_i32_2 = arith.constant 0 : i32
    return %c0_i32, %c0_i32_0, %c0_i32_1 : i32, i32, i32
  }
  func.func @transform_5(%arg0: i32) -> (i32, i32, i32) {
    %c0_i32 = arith.constant 0 : i32
    %c0_i32_0 = arith.constant 0 : i32
    %c0_i32_1 = arith.constant 0 : i32
    return %arg0, %c0_i32, %c0_i32_0 : i32, i32, i32
  }
}

module attributes {stable_mosaic.version = 14 : i64} {
  func.func @_tc_body(%arg0: i32, %arg1: memref<3200x128xf32, #tpu.memory_space<vmem>>, %arg2: memref<128x512xf32, #tpu.memory_space<vmem>>, %arg3: memref<3200x512xf32, #tpu.memory_space<vmem>>) attributes {dimension_semantics = [#tpu.dimension_semantics<arbitrary>], iteration_bounds = array<i64: 8>, scalar_prefetch = 0 : i64, scratch_operands = 0 : i64, tpu.core_type = #tpu.core_type<tc>, window_params = [{transform_indices = @transform_0, window_bounds = array<i64: 3200, 128>}, {pipeline_mode = #tpu.pipeline_mode<synchronous>, transform_indices = @transform_1, window_bounds = array<i64: 128, 512>}, {transform_indices = @transform_2, window_bounds = array<i64: 3200, 512>}]} {
    %get3A = arith.constant 0 : index
    %get3A_0 = arith.constant 0 : index
    %get3A_1 = vector.load %arg1[%get3A, %get3A_0] : memref<3200x128xf32, #tpu.memory_space<vmem>>, vector<3200x128xf32>
    %get3A_2 = arith.constant 0 : index
    %get3A_3 = arith.constant 0 : index
    %get3A_4 = vector.load %arg2[%get3A_2, %get3A_3] : memref<128x512xf32, #tpu.memory_space<vmem>>, vector<128x512xf32>
    %dot_general3A = arith.constant dense<0.000000e+00> : vector<3200x512xf32>
    %dot_general3A_5 = tpu.matmul %get3A_1, %get3A_4, %dot_general3A {dimension_numbers = #tpu.dot_dimension_numbers<[1], [0], [0], [1], [0, 0, 1, 1], [], []>, transpose_lhs_hint = false} : vector<3200x128xf32>, vector<128x512xf32>, vector<3200x512xf32> -> vector<3200x512xf32>
    %mul3A = arith.constant -2.000000e+00 : f32
    %mul3A_6 = vector.broadcast %mul3A : f32 to vector<3200x512xf32>
    %mul3A_7 = arith.mulf %mul3A_6, %dot_general3A_5 : vector<3200x512xf32>
    %max3A = arith.constant 0.000000e+00 : f32
    %max3A_8 = vector.broadcast %max3A : f32 to vector<3200x512xf32>
    %max3A_9 = arith.maximumf %mul3A_7, %max3A_8 : vector<3200x512xf32>
    %abs3A = math.absf %mul3A_7 : vector<3200x512xf32>
    %neg3A = arith.constant 0.000000e+00 : f32
    %neg3A_10 = vector.broadcast %neg3A : f32 to vector<3200x512xf32>
    %neg3A_11 = arith.subf %neg3A_10, %abs3A : vector<3200x512xf32>
    %exp3A = math.exp %neg3A_11 : vector<3200x512xf32>
    %log1p3A = math.log1p %exp3A : vector<3200x512xf32>
    %add3A = arith.addf %max3A_9, %log1p3A : vector<3200x512xf32>
    %neg3A_12 = arith.constant 0.000000e+00 : f32
    %neg3A_13 = vector.broadcast %neg3A_12 : f32 to vector<3200x512xf32>
    %neg3A_14 = arith.subf %neg3A_13, %add3A : vector<3200x512xf32>
    %swap3A = arith.constant 0 : index
    %swap3A_15 = arith.constant 0 : index
    %swap3A_16 = vector.load %arg3[%swap3A, %swap3A_15] : memref<3200x512xf32, #tpu.memory_space<vmem>>, vector<3200x512xf32>
    tpu.vector_store %arg3[%swap3A, %swap3A_15], %neg3A_14 {strides = array<i32>} : memref<3200x512xf32, #tpu.memory_space<vmem>>, vector<3200x512xf32>,
    return
  }
  func.func @transform_0(%arg0: i32) -> (i32, i32) {
    %c0_i32 = arith.constant 0 : i32
    %c0_i32_0 = arith.constant 0 : i32
    return %arg0, %c0_i32 : i32, i32
  }
  func.func @transform_1(%arg0: i32) -> (i32, i32) {
    %c0_i32 = arith.constant 0 : i32
    %c0_i32_0 = arith.constant 0 : i32
    %c0_i32_1 = arith.constant 0 : i32
    return %c0_i32, %c0_i32_0 : i32, i32
  }
  func.func @transform_2(%arg0: i32) -> (i32, i32) {
    %c0_i32 = arith.constant 0 : i32
    %c0_i32_0 = arith.constant 0 : i32
    return %arg0, %c0_i32 : i32, i32
  }
}

</mosaic_0001>

<sc_bundles>
// kernel: kernel.10.cloned.1.call-start
scs
__scs_entry_jumppad:
0x0: {  	(pc) =	sbr.rel $0x88, $3  }
0x1: {  	(tag) =	ssettag $0x0;
	lr =	simm.s32 $0x1  }
0x2: {  	[smem:$0x3F9C] =	sst lr;
	_ =	strace $0xD0000000  }
0x3: {  	_ = 	snop  }
0x4: {  	_ = 	snop  }
0x5: {  	_ = 	snop  }
0x6: {  	_ = 	snop  }
0x7: {  	_ = 	snop  }
__scs_overlays_trampoline_lowered:
0x8: {  	[smem:$0x3FAB] =	sst s0  }
0x9: {  	[smem:$0x3FAC] =	sst s1  }
0xa: {  	[smem:$0x3FAD] =	sst s2  }
0xb: {  	[smem:$0x3FAE] =	sst s3  }
0xc: {  	[smem:$0x3FAF] =	sst s4  }
0xd: {  	[smem:$0x3FB0] =	sst s5  }
0xe: {  	[smem:$0x3FB1] =	sst s6  }
0xf: {  	[smem:$0x3FB2] =	sst s7  }
0x10: {  	[smem:$0x3FB3] =	sst s8  }
0x11: {  	[smem:$0x3FB4] =	sst s9;
	s0 =	simm.s32 @!p0 $0x0  }
0x12: {  	s1 =	sld [smem:$0x3F9A];
	s0 =	simm.s32 @p0 $0x1  }
0x13: {  	[smem:$0x3FB5] =	sst s0;
	s0 =	simm.s32 @!p1 $0x0  }
0x14: {  	s2 =	sld [smem:$0x3F99];
	s0 =	simm.s32 @p1 $0x1  }
0x15: {  	[smem:$0x3FB6] =	sst s0;
	s0 =	simm.s32 @!p2 $0x0  }
0x16: {  	s3 =	sld [smem:$0x3FDB];
	s0 =	simm.s32 @p2 $0x1  }
0x17: {  	s4 =	simm.s32 $0x1BF5;
	[smem:$0x3FB8] =	sst s0  }
0x18: {  	s0 =	sld [smem:$0x3F9B];
	_ =	swait.ge [sflag:s4], $0x0  }
0x19: {  	s7 =	sld [smem:$0x3F9C]  }
0x1a: {  	s8 =	sadd.s32 $0xFFFFE003, lr  }
0x1b: {  	s9 =	sadd.s32 $0xFFFFFEF7, lr;
	s5 =	simm.s32 $0xFFFFFFFF;
	p2 =	slt.u32 s8, $0xFFFFF086  }
0x1c: {  	p1 =	slt.u32 s9, $0xF7A;
	s5 =	simm.s32 @!p2 $0x0  }
0x1d: {  	s5 =	simm.s32 @p1 $0x1;
	p0 =	seq.s32 s7, s2  }
0x1e: {  	s7 =	smul.u32 @!p0 $0xF7A, s2;
	p2 =	seq.s32 @!p0 s5, $0x0  }
0x1f: {  	s9 =	smul.u32 $0xF7A, s1;
	s8 =	simm.s32 @!p0 $0x1BF5;
	p2 =	por !p2, p0  }
0x20: {  	[sflag:s8] =	ssyncset.s32 @!p0 $0xFFFFF086;
	s6 =	sadd.s32 @!p0 s3, s7;
	s7 =	simm.s32 @!p0 $0x108  }
0x21: {  	s3 =	sadd.s32 s3, s9;
	s6 =	sadd.s32 @!p0 $0x88, s6;
	s7 =	simm.s32 @p2 $0x1082  }
0x22: {  	[simem:s7], [sflag:s8] =	dma.local @!p0 [hbm:s6], $0xF7A  }
0x23: {  	s9 =	sor.u32 $0xD0000000, s2;
	s6 =	simm.s32 $0x108;
	_ =	swait.ge @!p0 [sflag:s8], $0x0  }
0x24: {  	s3 =	sadd.s32 $0x88, s3;
	s6 =	simm.s32 @!p1 $0x1082;
	[sflag:s4] =	ssyncset.s32 $0xFFFFF086  }
0x25: {  	[simem:s6], [sflag:s4] =	dma.local [hbm:s3], $0xF7A  }
0x26: {  	[smem:$0x3F9C] =	sst s1;
	(tag) =	ssettag s2;
	_ =	strace s9  }
0x27: {  	s1 =	sld [smem:$0x3FAC]  }
0x28: {  	s2 =	sld [smem:$0x3FAD]  }
0x29: {  	s4 =	sld [smem:$0x3FAF]  }
0x2a: {  	p0 =	seq.s32 s5, $0x0;
	s5 =	sld [smem:$0x3FB0]  }
0x2b: {  	s6 =	sld [smem:$0x3FB1]  }
0x2c: {  	s7 =	sld [smem:$0x3FB2]  }
0x2d: {  	s3 =	simm.s32 $0x108;
	s8 =	sld [smem:$0x3FB3]  }
0x2e: {  	s3 =	simm.s32 @!p0 $0x1082;
	s9 =	sld [smem:$0x3FB4]  }
0x2f: {  	lr =	sadd.s32 s0, s3;
	s0 =	sld [smem:$0x3FAB]  }
0x30: {  	s3 =	sld [smem:$0x3FAE]  }
0x31: {  	[smem:$0x3FB7] =	sst s10  }
0x32: {  	s10 =	sld [smem:$0x3FB5];
	_ =	sdelay $0x3  }
0x33: {  	p0 =	seq.s32 s10, $0x1;
	s10 =	sld [smem:$0x3FB7];
	_ =	sdelay $0x3  }
0x34: {  	[smem:$0x3FB7] =	sst s10  }
0x35: {  	s10 =	sld [smem:$0x3FB6];
	_ =	sdelay $0x3  }
0x36: {  	p1 =	seq.s32 s10, $0x1;
	s10 =	sld [smem:$0x3FB7];
	_ =	sdelay $0x3  }
0x37: {  	[smem:$0x3FB7] =	sst s10  }
0x38: {  	s10 =	sld [smem:$0x3FB8]  }
0x39: {  	_ = 	snop;
	(pc) =	sbr.ind lr, $3  }
0x3a: {  	_ = 	snop  }
0x3b: {  	_ = 	snop  }
0x3c: {  	p2 =	seq.s32 s10, $0x1;
	s10 =	sld [smem:$0x3FB7]  }
0x3d: {  	_ =	shalt  }
0x3e: {  	_ =	shalt  }
0x3f: {  	_ =	shalt  }
0x40: {  	_ =	shalt  }
0x41: {  	_ =	shalt  }
0x42: {  	_ =	shalt  }
0x43: {  	_ =	shalt  }
0x44: {  	_ =	shalt  }
0x45: {  	_ =	shalt  }
0x46: {  	_ =	shalt  }
0x47: {  	_ =	shalt  }
0x48: {  	_ =	shalt  }
0x49: {  	_ =	shalt  }
0x4a: {  	_ =	shalt  }
0x4b: {  	_ =	shalt  }
0x4c: {  	_ =	shalt  }
0x4d: {  	_ =	shalt  }
0x4e: {  	_ =	shalt  }
0x4f: {  	_ =	shalt  }
0x50: {  	_ =	shalt  }
0x51: {  	_ =	shalt  }
0x52: {  	_ =	shalt  }
0x53: {  	_ =	shalt  }
0x54: {  	_ =	shalt  }
0x55: {  	_ =	shalt  }
0x56: {  	_ =	shalt  }
0x57: {  	_ =	shalt  }
0x58: {  	_ =	shalt  }
0x59: {  	_ =	shalt  }
0x5a: {  	_ =	shalt  }
0x5b: {  	_ =	shalt  }
0x5c: {  	_ =	shalt  }
0x5d: {  	_ =	shalt  }
0x5e: {  	_ =	shalt  }
0x5f: {  	_ =	shalt  }
0x60: {  	_ =	shalt  }
0x61: {  	_ =	shalt  }
0x62: {  	_ =	shalt  }
0x63: {  	_ =	shalt  }
0x64: {  	_ =	shalt  }
0x65: {  	_ =	shalt  }
0x66: {  	_ =	shalt  }
0x67: {  	_ =	shalt  }
0x68: {  	_ =	shalt  }
0x69: {  	_ =	shalt  }
0x6a: {  	_ =	shalt  }
0x6b: {  	_ =	shalt  }
0x6c: {  	_ =	shalt  }
0x6d: {  	_ =	shalt  }
0x6e: {  	_ =	shalt  }
0x6f: {  	_ =	shalt  }
0x70: {  	_ =	shalt  }
0x71: {  	_ =	shalt  }
0x72: {  	_ =	shalt  }
0x73: {  	_ =	shalt  }
0x74: {  	_ =	shalt  }
0x75: {  	_ =	shalt  }
0x76: {  	_ =	shalt  }
0x77: {  	_ =	shalt  }
0x78: {  	_ =	shalt  }
0x79: {  	_ =	shalt  }
0x7a: {  	_ =	shalt  }
0x7b: {  	_ =	shalt  }
0x7c: {  	_ =	shalt  }
0x7d: {  	_ =	shalt  }
0x7e: {  	_ =	shalt  }
0x7f: {  	_ =	shalt  }
0x80: {  	_ =	shalt  }
0x81: {  	_ =	shalt  }
0x82: {  	_ =	shalt  }
0x83: {  	_ =	shalt  }
0x84: {  	_ =	shalt  }
0x85: {  	_ =	shalt  }
0x86: {  	_ =	shalt  }
0x87: {  	_ =	shalt  }
.Lfunc_end0:
.L_simem_size_0:
called_computation.2_lowered:
.L_overlay_start_0:
0x88: {  	s2 =	sld [smem:$0x3FD9]  }
0x89: {  	s3 =	sld [smem:$0x3FFE];
	_ =	sdelay $0x1  }
0x8a: {  	s1 =	srdreg.scid  }
0x8b: {  	s0 =	sand.u32 $0x1, s1  }
0x8c: {  	s17 =	sshll.u32 s0, $0xA;
	s2 =	sadd.s32 s3, s2  }
0x8d: {  	s2 =	sadd.s32 s2, s17  }
0x8e: {  	[smem:$0x3FC3] =	sst s2  }
0x8f: {  	_ = 	snop  }
0x90: {  	(tm) =	ssettm $0x1  }
0x91: {  	s18 =	sld [smem:$0x3FFB];
	_ =	sdelay $0x3  }
0x92: {  	_ =	strace s18  }
0x93: {  	s2 =	sld [smem:$0x3FFC];
	_ =	sdelay $0x3  }
0x94: {  	_ =	strace s2  }
0x95: {  	s2 =	sld [smem:$0x3FFD];
	_ =	sdelay $0x3  }
0x96: {  	_ =	strace s2  }
0x97: {  	_ =	strace $0x8FFFFFFF  }
0x98: {  	s19 =	sld [smem:$0x3FDB];
	_ =	sdelay $0x1  }
0x99: {  	s20 =	simm.s32 $_scs_section_size  }
0x9a: {  	s4 =	simm.s32 $_size__tile_overlayer_lowered;
	s5 =	simm.s32 $_tile_overlayer_lowered  }
0x9b: {  	s6 =	simm.s32 $0x1BFF;
	s21 =	sshll.u32 s5, $0x1;
	s3 =	sadd.s32 s20, s19  }
0x9c: {  	s22 =	simm.s32 $0x0;
	s4 =	sshll.u32 s4, $0x1;
	s5 =	sadd.s32 s21, s3  }
0x9d: {  	[timem:s22], [sflag:s6] =	dma.local [hbm:s5], s4  }
0x9e: {  	_ =	swait.ge [sflag:s6], s4  }
0x9f: {  	s4 =	ssub.s32 $0x0, s4;
	[sflag:s6] =	ssyncset.done $0x0  }
0xa0: {  	[sflag:s6] =	ssyncadd.s32 s4;
	_ =	sdelay $0x1  }
0xa1: {  	s23 =	simm.s32 $0x1B8B  }
0xa2: {  	_ =	swait.ge [sflag:s23], $0x1  }
0xa3: {  	[sflag:s23] =	ssyncset.done $0x0  }
0xa4: {  	[sflag:s23] =	ssyncadd.s32 $0xFFFFFFFF  }
0xa5: {  	s4 =	sld [smem:$0x0]  }
0xa6: {  	s5 =	sand.u32 $0xFFFFFFFE, s1  }
0xa7: {  	p0 =	sne.s32 s1, s5  }
0xa8: {  	s5 =	sshll.u32 @p0 s5, $0xE  }
0xa9: {  	s5 =	sadd.s32 @p0 $0x11B8D, s5;
	s6 =	sshll.u32 @p0 s4, $0x11  }
0xaa: {  	s5 =	sor.u32 @p0 s6, s5  }
0xab: {  	[sflag:s5] =	ssyncadd.remote.s32 @p0 $0x1;
	_ =	sdelay $0x1  }
0xac: {  	s5 =	simm.s32 @p0 $0x1B8D  }
0xad: {  	_ =	swait.eq @p0 [sflag:s5], $0x1  }
0xae: {  	[sflag:s5] =	ssyncadd.s32 @p0 $0xFFFFFFFF  }
0xaf: {  	s6 =	sshll.u32 @!p0 s1, $0xE  }
0xb0: {  	s6 =	sor.u32 @!p0 $0x4000, s6;
	s5 =	simm.s32 @!p0 $0x1B8D  }
0xb1: {  	s4 =	sshll.u32 @!p0 s4, $0x11;
	s6 =	sadd.s32 @!p0 $0x11B8D, s6;
	_ =	swait.eq @!p0 [sflag:s5], $0x1  }
0xb2: {  	s4 =	sor.u32 @!p0 s4, s6;
	[sflag:s5] =	ssyncadd.s32 @!p0 $0xFFFFFFFF  }
0xb3: {  	s25 =	simm.s32 $0x1B8E;
	s24 =	sld [smem:$0x3FFE];
	[sflag:s4] =	ssyncadd.remote.s32 @!p0 $0x1  }
0xb4: {  	s26 =	simm.s32 $execute0_lowered;
	[smem:$0x3FD2] =	sst s25  }
0xb5: {  	s5 =	sshll.u32 s26, $0x1;
	_ =	strace $0x80000049;
	[dreg:$0x1] =	wrdreg $0xFFFFFFFF  }
0xb6: {  	s28 =	simm.s32 $_size_execute0_lowered;
	s3 =	sadd.s32 s3, s5;
	[dreg:$0x0] =	wrdreg $0x0  }
0xb7: {  	s5 =	sshll.u32 s28, $0x1;
	[dreg:$0x2] =	wrdreg s3  }
0xb8: {  	[dreg:$0x3] =	wrdreg s5  }
0xb9: {  	[dreg:$0x4] =	wrdreg $0xC0  }
0xba: {  	_ =	task [dreg:s22], $0x5FFFF  }
0xbb: {  	[dreg:$0x1] =	wrdreg $0xFFFFFFFF  }
0xbc: {  	[dreg:$0x0] =	wrdreg $0x60  }
0xbd: {  	[dreg:$0x2] =	wrdreg s24  }
0xbe: {  	[dreg:$0x3] =	wrdreg $0xA  }
0xbf: {  	_ =	task.clear_ibuf [dreg:s22], $0x4FFFF;
	_ =	strace $0x90000049  }
0xc0: {  	s29 =	simm.s32 $0xA;
	_ =	strace $0x8000004B  }
0xc1: {  	_ =	swait.ge [sflag:s29], $0x1  }
0xc2: {  	[sflag:s29] =	ssyncadd.s32 $0xFFFFFFFF  }
0xc3: {  	_ =	strace $0x9000004B  }
0xc4: {  	_ =	sfence  }
0xc5: {  	s30 =	sld [smem:$0x0];
	_ =	sdelay $0x2  }
0xc6: {  	s31 =	sshll.u32 s1, $0xD;
	s1 =	sshrl.u32 s1, $0x2  }
0xc7: {  	s4 =	sand.u32 $0x4000, s31;
	s1 =	sadd.s32 s1, s30  }
0xc8: {  	s0 =	sor.u32 s4, s0;
	s1 =	sshll.u32 s1, $0x11  }
0xc9: {  	s0 =	sor.u32 s1, s0  }
0xca: {  	s0 =	sadd.s32 $0x8F2B, s0  }
0xcb: {  	[sflag:s0] =	ssyncadd.remote.s32 $0x1  }
0xcc: {  	_ =	sfence.sel $0xFFFF  }
0xcd: {  	[dreg:$0x0] =	wrdreg $0xFFFFFFFF;
	(pc) =	sbr.abs _section_cstart, $3  }
0xce: {  	[dreg:$0x1] =	wrdreg $0xFFFFFFFF  }
0xcf: {  	_ =	task.clear_ibuf [dreg:s22], $0x2FFFF;
	_ =	strace $0x9FFFFFFF  }
0xd0: {  	(tm) =	ssettm $0x7FFFFFFF  }
0xd1: {  	_ =	shalt  }
tec
execute0_lowered:
.L_overlay_start_1:
0x0: {  	(tag) =	ssettag $0x1  }
0x1: {  	s1 =	srdreg.scid;
	s0 =	stileid.u32  }
0x2: {  	s4 =	rddreg [dreg:$0x0];
	s2 =	simm.s32 $0x0;
	s8 =	simm.s32 $0x80  }
0x3: {  	s9 =	simm.s32 $0x1;
	s3 =	sand.u32 $0x1, s1;
	s30 =	sshll.u32 s0, $0x1  }
0x4: {  	s10 =	simm.s32 $0x3200;
	s1 =	rddreg [dreg:$0x1];
	s5 =	sor.u32 s3, s30  }
0x5: {  	s11 =	simm.s32 $0x0;
	[smem:$0x7FF] =	sst s2;
	s6 =	smul.u32 $0x640, s5  }
0x6: {  	_ =	strace $0x8000004A;
	s7 =	ssub.s32 $0x2, s3;
	s5 =	smul.u32 $0x3200, s5  }
0x7: {  	s3 =	sadd.s32 $0xD600, s4;
	s31 =	sshrl.u32 s7, $0x1;
	s6 =	sadd.s32 s6, s4  }
0x8: {  	s7 =	ssub.s32 s7, s31;
	s5 =	sadd.s32 s5, s4;
	s4 =	sadd.s32 $0x10D600, s6  }
0x9: {  	s5 =	sadd.s32 $0x119E00, s5;
	s6 =	smax.u32 s7, $0x1;
	s7 =	simm.s32 $0x2  }
.LBB2_1:
0xa: {  	[tilespmem:s2], [sflag:$0x2] =	stream.linear.gather [hbm4b:s4+s2], $0x3200, $0x38;
	[tilespmem:$0xFA00] =	vst v63  }
0xb: {  	_ =	swait.ge [sflag:s7], $0x3200  }
0xc: {  	[sflag:s7] =	ssyncset.done $0x0  }
0xd: {  	s12 =	simm.s32 $0x3200;
	s13 =	simm.s32 $0x0;
	[sflag:s7] =	ssyncadd.s32 $0xFFFFCE00  }
.LBB2_2:
0xe: {  	p0 =	sne.s32 s13, $0x6200  }
.Ltmp0:
0xf: {  	_ = 	snop;
	(pc) =	sbr.rel @p0 .LBB2_2-.Ltmp0, $4  }
0x10: {  	_ = 	snop  }
0x11: {  	s14 =	sshra.s32 s13, $0x2  }
0x12: {  	[tilespmem:s12], [sflag:$0x1] =	stream.indirect.gather [hbm4b:s3+s8], $0x8, s14, s8, $0xb8;
	[tilespmem:$0xFA00] =	vst v63  }
0x13: {  	s13 =	sadd.s32 $0x200, s13;
	s12 =	sadd.s32 $0x400, s12  }
0x14: {  	_ =	swait.ge [sflag:s9], $0x400  }
0x15: {  	s12 =	simm.s32 $0x31;
	[sflag:s9] =	ssyncset.done $0x0  }
.LBB2_4:
0x16: {  	p0 =	sne.s32 s12, $0x1;
	s12 =	sadd.s32 $0xFFFFFFFF, s12;
	[sflag:s9] =	ssyncadd.s32 $0xFFFFFC00  }
.Ltmp1:
0x17: {  	(pc) =	sbr.rel @p0 .LBB2_4-.Ltmp1, $3  }
0x18: {  	_ =	sdelay $0x1  }
0x19: {  	_ =	swait.ge [sflag:s9], $0x400  }
0x1a: {  	[sflag:s9] =	ssyncset.done $0x0  }
0x1b: {  	[sflag:s9] =	ssyncadd.s32 $0xFFFFFC00;
	s12 =	simm.s32 $0x0;
	s13 =	simm.s32 $0x3200  }
0x1c: {  	[hbm4b:s5+s12] =	stream.linear.scatter [tilespmem:s13], [sflag:$0x2], $0xC800, $0x38;
	[tilespmem:$0xFA00] =	vst v63  }
0x1d: {  	_ =	swait.ge [sflag:s7], $0xC800  }
0x1e: {  	[sflag:s7] =	ssyncset.done $0x0  }
0x1f: {  	[sflag:s7] =	ssyncadd.s32 $0xFFFF3800  }
.LBB2_6:
0x20: {  	p0 =	sne.s32 s12, $0x6200  }
.Ltmp2:
0x21: {  	_ = 	snop;
	(pc) =	sbr.rel @p0 .LBB2_6-.Ltmp2, $4  }
0x22: {  	s14 =	sshra.s32 s12, $0x2  }
0x23: {  	s14 =	sadd.s32 $0x1900, s14  }
0x24: {  	[tilespmem:s13], [sflag:$0x1] =	stream.indirect.gather [hbm4b:s3+s8], $0x8, s14, s8, $0xb8;
	[tilespmem:$0xFA00] =	vst v63  }
0x25: {  	s12 =	sadd.s32 $0x200, s12;
	s13 =	sadd.s32 $0x400, s13  }
0x26: {  	_ =	swait.ge [sflag:s9], $0x400  }
0x27: {  	s12 =	simm.s32 $0x31;
	[sflag:s9] =	ssyncset.done $0x0  }
.LBB2_8:
0x28: {  	p0 =	sne.s32 s12, $0x1;
	s12 =	sadd.s32 $0xFFFFFFFF, s12;
	[sflag:s9] =	ssyncadd.s32 $0xFFFFFC00  }
.Ltmp3:
0x29: {  	(pc) =	sbr.rel @p0 .LBB2_8-.Ltmp3, $3  }
0x2a: {  	_ =	sdelay $0x1  }
0x2b: {  	_ =	swait.ge [sflag:s9], $0x400  }
0x2c: {  	[sflag:s9] =	ssyncset.done $0x0  }
0x2d: {  	s11 =	sadd.s32 $0x1, s11  }
0x2e: {  	p0 =	sne.s32 s11, s6  }
.Ltmp4:
0x2f: {  	[sflag:s9] =	ssyncadd.s32 $0xFFFFFC00;
	s12 =	sadd.s32 $0x1900, s5;
	(pc) =	sbr.rel @p0 .LBB2_1-.Ltmp4, $4  }
0x30: {  	[hbm4b:s12+s2] =	stream.linear.scatter [tilespmem:s10], [sflag:$0x2], $0xC800, $0x38;
	[tilespmem:$0xFA00] =	vst v63  }
0x31: {  	_ =	swait.ge [sflag:s7], $0xC800  }
0x32: {  	[sflag:s7] =	ssyncset.done $0x0  }
0x33: {  	[sflag:s7] =	ssyncadd.s32 $0xFFFF3800  }
0x34: {  	_ =	sfence.sel $0x180000  }
0x35: {  	[bflag:$0x0] =	sbarrier.arrive $0xFFFF  }
0x36: {  	p0 =	sne.s32 s0, $0x0;
	_ =	strace $0x9000004A  }
0x37: {  	s0 =	sadd.s32 @!p0 $0x100000, s1;
	[bflag:$0x2] =	sbarrier.arrive $0xFFFF  }
0x38: {  	[sflag:s0] =	ssyncadd.tile.s32 @!p0 $0x1;
	_ =	shalt  }
.Lfunc_end2:
_tile_overlayer_lowered:
.L_overlay_start_2:
0x39: {  	(tag) =	ssettag $0x2  }
0x3a: {  	s0 =	rddreg [dreg:$0x0];
	s2 =	stileid.u32  }
0x3b: {  	s1 =	rddreg [dreg:$0x1];
	p0 =	sne.s32 s2, $0x0  }
0x3c: {  	s3 =	rddreg [dreg:$0x2];
	[bflag:$0x3] =	sbarrier.arrive $0xFFFF;
	s2 =	simm.s32 @!p0 $0x1C02  }
0x3d: {  	[timem:s3], [sflag:s2] =	dma.local @!p0 [hbm:s0], s1  }
0x3e: {  	s0 =	simm.s32 @!p0 $0x2  }
0x3f: {  	_ =	swait.ge @!p0 [sflag:s0], s1  }
0x40: {  	s1 =	ssub.s32 @!p0 $0x0, s1;
	[sflag:s0] =	ssyncset.done @!p0 $0x0  }
0x41: {  	[sflag:s0] =	ssyncadd.s32 @!p0 s1  }
0x42: {  	[bflag:$0x3] =	sbarrier.arrive $0xFFFF  }
0x43: {  	_ =	shalt  }

// kernel: kernel.7.cloned.1.call-start
scs
__scs_entry_jumppad:
0x0: {  	(pc) =	sbr.rel $0x88, $3  }
0x1: {  	(tag) =	ssettag $0x0;
	lr =	simm.s32 $0x1  }
0x2: {  	[smem:$0x3F9C] =	sst lr;
	_ =	strace $0xD0000000  }
0x3: {  	_ = 	snop  }
0x4: {  	_ = 	snop  }
0x5: {  	_ = 	snop  }
0x6: {  	_ = 	snop  }
0x7: {  	_ = 	snop  }
__scs_overlays_trampoline_lowered:
0x8: {  	[smem:$0x3FAB] =	sst s0  }
0x9: {  	[smem:$0x3FAC] =	sst s1  }
0xa: {  	[smem:$0x3FAD] =	sst s2  }
0xb: {  	[smem:$0x3FAE] =	sst s3  }
0xc: {  	[smem:$0x3FAF] =	sst s4  }
0xd: {  	[smem:$0x3FB0] =	sst s5  }
0xe: {  	[smem:$0x3FB1] =	sst s6  }
0xf: {  	[smem:$0x3FB2] =	sst s7  }
0x10: {  	[smem:$0x3FB3] =	sst s8  }
0x11: {  	[smem:$0x3FB4] =	sst s9;
	s0 =	simm.s32 @!p0 $0x0  }
0x12: {  	s1 =	sld [smem:$0x3F9A];
	s0 =	simm.s32 @p0 $0x1  }
0x13: {  	[smem:$0x3FB5] =	sst s0;
	s0 =	simm.s32 @!p1 $0x0  }
0x14: {  	s2 =	sld [smem:$0x3F99];
	s0 =	simm.s32 @p1 $0x1  }
0x15: {  	[smem:$0x3FB6] =	sst s0;
	s0 =	simm.s32 @!p2 $0x0  }
0x16: {  	s3 =	sld [smem:$0x3FDB];
	s0 =	simm.s32 @p2 $0x1  }
0x17: {  	s4 =	simm.s32 $0x1BF5;
	[smem:$0x3FB8] =	sst s0  }
0x18: {  	s0 =	sld [smem:$0x3F9B];
	_ =	swait.ge [sflag:s4], $0x0  }
0x19: {  	s7 =	sld [smem:$0x3F9C]  }
0x1a: {  	s8 =	sadd.s32 $0xFFFFE003, lr  }
0x1b: {  	s9 =	sadd.s32 $0xFFFFFEF7, lr;
	s5 =	simm.s32 $0xFFFFFFFF;
	p2 =	slt.u32 s8, $0xFFFFF086  }
0x1c: {  	p1 =	slt.u32 s9, $0xF7A;
	s5 =	simm.s32 @!p2 $0x0  }
0x1d: {  	s5 =	simm.s32 @p1 $0x1;
	p0 =	seq.s32 s7, s2  }
0x1e: {  	s7 =	smul.u32 @!p0 $0xF7A, s2;
	p2 =	seq.s32 @!p0 s5, $0x0  }
0x1f: {  	s9 =	smul.u32 $0xF7A, s1;
	s8 =	simm.s32 @!p0 $0x1BF5;
	p2 =	por !p2, p0  }
0x20: {  	[sflag:s8] =	ssyncset.s32 @!p0 $0xFFFFF086;
	s6 =	sadd.s32 @!p0 s3, s7;
	s7 =	simm.s32 @!p0 $0x108  }
0x21: {  	s3 =	sadd.s32 s3, s9;
	s6 =	sadd.s32 @!p0 $0x88, s6;
	s7 =	simm.s32 @p2 $0x1082  }
0x22: {  	[simem:s7], [sflag:s8] =	dma.local @!p0 [hbm:s6], $0xF7A  }
0x23: {  	s9 =	sor.u32 $0xD0000000, s2;
	s6 =	simm.s32 $0x108;
	_ =	swait.ge @!p0 [sflag:s8], $0x0  }
0x24: {  	s3 =	sadd.s32 $0x88, s3;
	s6 =	simm.s32 @!p1 $0x1082;
	[sflag:s4] =	ssyncset.s32 $0xFFFFF086  }
0x25: {  	[simem:s6], [sflag:s4] =	dma.local [hbm:s3], $0xF7A  }
0x26: {  	[smem:$0x3F9C] =	sst s1;
	(tag) =	ssettag s2;
	_ =	strace s9  }
0x27: {  	s1 =	sld [smem:$0x3FAC]  }
0x28: {  	s2 =	sld [smem:$0x3FAD]  }
0x29: {  	s4 =	sld [smem:$0x3FAF]  }
0x2a: {  	p0 =	seq.s32 s5, $0x0;
	s5 =	sld [smem:$0x3FB0]  }
0x2b: {  	s6 =	sld [smem:$0x3FB1]  }
0x2c: {  	s7 =	sld [smem:$0x3FB2]  }
0x2d: {  	s3 =	simm.s32 $0x108;
	s8 =	sld [smem:$0x3FB3]  }
0x2e: {  	s3 =	simm.s32 @!p0 $0x1082;
	s9 =	sld [smem:$0x3FB4]  }
0x2f: {  	lr =	sadd.s32 s0, s3;
	s0 =	sld [smem:$0x3FAB]  }
0x30: {  	s3 =	sld [smem:$0x3FAE]  }
0x31: {  	[smem:$0x3FB7] =	sst s10  }
0x32: {  	s10 =	sld [smem:$0x3FB5];
	_ =	sdelay $0x3  }
0x33: {  	p0 =	seq.s32 s10, $0x1;
	s10 =	sld [smem:$0x3FB7];
	_ =	sdelay $0x3  }
0x34: {  	[smem:$0x3FB7] =	sst s10  }
0x35: {  	s10 =	sld [smem:$0x3FB6];
	_ =	sdelay $0x3  }
0x36: {  	p1 =	seq.s32 s10, $0x1;
	s10 =	sld [smem:$0x3FB7];
	_ =	sdelay $0x3  }
0x37: {  	[smem:$0x3FB7] =	sst s10  }
0x38: {  	s10 =	sld [smem:$0x3FB8]  }
0x39: {  	_ = 	snop;
	(pc) =	sbr.ind lr, $3  }
0x3a: {  	_ = 	snop  }
0x3b: {  	_ = 	snop  }
0x3c: {  	p2 =	seq.s32 s10, $0x1;
	s10 =	sld [smem:$0x3FB7]  }
0x3d: {  	_ =	shalt  }
0x3e: {  	_ =	shalt  }
0x3f: {  	_ =	shalt  }
0x40: {  	_ =	shalt  }
0x41: {  	_ =	shalt  }
0x42: {  	_ =	shalt  }
0x43: {  	_ =	shalt  }
0x44: {  	_ =	shalt  }
0x45: {  	_ =	shalt  }
0x46: {  	_ =	shalt  }
0x47: {  	_ =	shalt  }
0x48: {  	_ =	shalt  }
0x49: {  	_ =	shalt  }
0x4a: {  	_ =	shalt  }
0x4b: {  	_ =	shalt  }
0x4c: {  	_ =	shalt  }
0x4d: {  	_ =	shalt  }
0x4e: {  	_ =	shalt  }
0x4f: {  	_ =	shalt  }
0x50: {  	_ =	shalt  }
0x51: {  	_ =	shalt  }
0x52: {  	_ =	shalt  }
0x53: {  	_ =	shalt  }
0x54: {  	_ =	shalt  }
0x55: {  	_ =	shalt  }
0x56: {  	_ =	shalt  }
0x57: {  	_ =	shalt  }
0x58: {  	_ =	shalt  }
0x59: {  	_ =	shalt  }
0x5a: {  	_ =	shalt  }
0x5b: {  	_ =	shalt  }
0x5c: {  	_ =	shalt  }
0x5d: {  	_ =	shalt  }
0x5e: {  	_ =	shalt  }
0x5f: {  	_ =	shalt  }
0x60: {  	_ =	shalt  }
0x61: {  	_ =	shalt  }
0x62: {  	_ =	shalt  }
0x63: {  	_ =	shalt  }
0x64: {  	_ =	shalt  }
0x65: {  	_ =	shalt  }
0x66: {  	_ =	shalt  }
0x67: {  	_ =	shalt  }
0x68: {  	_ =	shalt  }
0x69: {  	_ =	shalt  }
0x6a: {  	_ =	shalt  }
0x6b: {  	_ =	shalt  }
0x6c: {  	_ =	shalt  }
0x6d: {  	_ =	shalt  }
0x6e: {  	_ =	shalt  }
0x6f: {  	_ =	shalt  }
0x70: {  	_ =	shalt  }
0x71: {  	_ =	shalt  }
0x72: {  	_ =	shalt  }
0x73: {  	_ =	shalt  }
0x74: {  	_ =	shalt  }
0x75: {  	_ =	shalt  }
0x76: {  	_ =	shalt  }
0x77: {  	_ =	shalt  }
0x78: {  	_ =	shalt  }
0x79: {  	_ =	shalt  }
0x7a: {  	_ =	shalt  }
0x7b: {  	_ =	shalt  }
0x7c: {  	_ =	shalt  }
0x7d: {  	_ =	shalt  }
0x7e: {  	_ =	shalt  }
0x7f: {  	_ =	shalt  }
0x80: {  	_ =	shalt  }
0x81: {  	_ =	shalt  }
0x82: {  	_ =	shalt  }
0x83: {  	_ =	shalt  }
0x84: {  	_ =	shalt  }
0x85: {  	_ =	shalt  }
0x86: {  	_ =	shalt  }
0x87: {  	_ =	shalt  }
.Lfunc_end0:
.L_simem_size_0:
called_computation.1_lowered:
.L_overlay_start_0:
0x88: {  	s2 =	sld [smem:$0x3FD9]  }
0x89: {  	s3 =	sld [smem:$0x3FFE];
	_ =	sdelay $0x1  }
0x8a: {  	s1 =	srdreg.scid  }
0x8b: {  	s0 =	sand.u32 $0x1, s1  }
0x8c: {  	s17 =	sshll.u32 s0, $0xA;
	s2 =	sadd.s32 s3, s2  }
0x8d: {  	s2 =	sadd.s32 s2, s17  }
0x8e: {  	[smem:$0x3FC3] =	sst s2  }
0x8f: {  	_ = 	snop  }
0x90: {  	s2 =	sld [smem:$0x3FD0];
	(tm) =	ssettm $0x1  }
0x91: {  	s18 =	sld [smem:$0x3FFB];
	_ =	sdelay $0x3  }
0x92: {  	_ =	strace s18  }
0x93: {  	s3 =	sld [smem:$0x3FFC];
	_ =	sdelay $0x3  }
0x94: {  	_ =	strace s3  }
0x95: {  	s3 =	sld [smem:$0x3FFD];
	_ =	sdelay $0x3  }
0x96: {  	_ =	strace s3  }
0x97: {  	_ =	strace $0x8FFFFFFF  }
0x98: {  	s19 =	sld [smem:$0x3FDB];
	_ =	sdelay $0x1  }
0x99: {  	s4 =	simm.s32 $_scs_section_size  }
0x9a: {  	s5 =	simm.s32 $_size__tile_overlayer_lowered;
	s6 =	simm.s32 $_tile_overlayer_lowered  }
0x9b: {  	s22 =	simm.s32 $0x1BFF;
	s21 =	sshll.u32 s6, $0x1;
	s3 =	sadd.s32 s4, s19  }
0x9c: {  	s7 =	simm.s32 $0x0;
	s20 =	sshll.u32 s5, $0x1;
	s5 =	sadd.s32 s21, s3  }
0x9d: {  	[timem:s7], [sflag:s22] =	dma.local [hbm:s5], s20  }
0x9e: {  	_ =	swait.ge [sflag:s22], s20  }
0x9f: {  	s4 =	ssub.s32 $0x0, s20;
	[sflag:s22] =	ssyncset.done $0x0  }
0xa0: {  	[sflag:s22] =	ssyncadd.s32 s4;
	_ =	sdelay $0x1  }
0xa1: {  	s23 =	simm.s32 $0x1B8B  }
0xa2: {  	_ =	swait.ge [sflag:s23], $0x1  }
0xa3: {  	[sflag:s23] =	ssyncset.done $0x0  }
0xa4: {  	s25 =	simm.s32 $0x1B8E;
	s24 =	sld [smem:$0x3FFE];
	[sflag:s23] =	ssyncadd.s32 $0xFFFFFFFF  }
0xa5: {  	s26 =	simm.s32 $execute0_lowered;
	[smem:$0x3FD2] =	sst s25  }
0xa6: {  	s5 =	sshll.u32 s26, $0x1;
	_ =	strace $0x80000046;
	[dreg:$0x1] =	wrdreg $0xFFFFFFFF  }
0xa7: {  	s28 =	simm.s32 $_size_execute0_lowered;
	s3 =	sadd.s32 s3, s5;
	[dreg:$0x0] =	wrdreg $0x0  }
0xa8: {  	s5 =	sshll.u32 s28, $0x1;
	[dreg:$0x2] =	wrdreg s3  }
0xa9: {  	[dreg:$0x3] =	wrdreg s5  }
0xaa: {  	[dreg:$0x4] =	wrdreg $0xC0  }
0xab: {  	_ =	task [dreg:s7], $0x5FFFF  }
0xac: {  	[dreg:$0x1] =	wrdreg $0xFFFFFFFF  }
0xad: {  	[dreg:$0x0] =	wrdreg $0x60  }
0xae: {  	[dreg:$0x2] =	wrdreg s24  }
0xaf: {  	[dreg:$0x3] =	wrdreg s2  }
0xb0: {  	[dreg:$0x4] =	wrdreg $0x9  }
0xb1: {  	_ =	task.clear_ibuf [dreg:s7], $0x5FFFF;
	_ =	strace $0x90000046  }
0xb2: {  	s29 =	simm.s32 $0x9;
	_ =	strace $0x80000048  }
0xb3: {  	_ =	swait.ge [sflag:s29], $0x1  }
0xb4: {  	[sflag:s29] =	ssyncadd.s32 $0xFFFFFFFF  }
0xb5: {  	_ =	strace $0x90000048  }
0xb6: {  	_ =	sfence  }
0xb7: {  	s30 =	sld [smem:$0x0];
	_ =	sdelay $0x2  }
0xb8: {  	s31 =	sshll.u32 s1, $0xD;
	s1 =	sshrl.u32 s1, $0x2  }
0xb9: {  	s3 =	sand.u32 $0x4000, s31;
	s1 =	sadd.s32 s1, s30  }
0xba: {  	s0 =	sor.u32 s3, s0;
	s1 =	sshll.u32 s1, $0x11  }
0xbb: {  	s0 =	sor.u32 s1, s0  }
0xbc: {  	s0 =	sadd.s32 $0x8F2B, s0  }
0xbd: {  	[sflag:s0] =	ssyncadd.remote.s32 $0x1  }
0xbe: {  	_ =	sfence.sel $0xFFFF  }
0xbf: {  	[dreg:$0x0] =	wrdreg $0xFFFFFFFF;
	(pc) =	sbr.abs _section_cstart, $3  }
0xc0: {  	[dreg:$0x1] =	wrdreg $0xFFFFFFFF  }
0xc1: {  	_ =	task.clear_ibuf [dreg:s7], $0x2FFFF;
	_ =	strace $0x9FFFFFFF  }
0xc2: {  	(tm) =	ssettm $0x7FFFFFFF  }
0xc3: {  	_ =	shalt  }
tec
execute0_lowered:
.L_overlay_start_1:
0x0: {  	(tag) =	ssettag $0x1  }
0x1: {  	s3 =	rddreg [dreg:$0x0];
	s1 =	srdreg.scid  }
0x2: {  	s0 =	stileid.u32;
	s5 =	rddreg [dreg:$0x1];
	s2 =	simm.s32 $0x0  }
0x3: {  	s9 =	simm.s32 $0x1;
	s4 =	sand.u32 $0x1, s1;
	s6 =	sshll.u32 s0, $0x1  }
0x4: {  	s10 =	simm.s32 $0x3200;
	s11 =	simm.s32 $0x0;
	s6 =	sor.u32 s4, s6  }
0x5: {  	s1 =	rddreg [dreg:$0x2];
	s4 =	ssub.s32 $0x2, s4;
	s7 =	smul.u32 $0x640, s6  }
0x6: {  	[smem:$0x7FF] =	sst s2;
	s6 =	smul.u32 $0x3200, s6;
	s8 =	sshrl.u32 s4, $0x1  }
0x7: {  	_ =	strace $0x80000047;
	s8 =	ssub.s32 s4, s8;
	s7 =	sadd.s32 s7, s3  }
0x8: {  	s3 =	sadd.s32 $0xD600, s3;
	s5 =	sadd.s32 s5, s6;
	s6 =	smax.u32 s8, $0x1  }
0x9: {  	s8 =	simm.s32 $0x80;
	s4 =	sadd.s32 $0xE00, s7;
	s7 =	simm.s32 $0x2  }
.LBB2_1:
0xa: {  	[tilespmem:s2], [sflag:$0x2] =	stream.linear.gather [hbm4b:s4+s2], $0x3200, $0x38;
	[tilespmem:$0xFA00] =	vst v63  }
0xb: {  	_ =	swait.ge [sflag:s7], $0x3200  }
0xc: {  	[sflag:s7] =	ssyncset.done $0x0  }
0xd: {  	s12 =	simm.s32 $0x3200;
	s13 =	simm.s32 $0x0;
	[sflag:s7] =	ssyncadd.s32 $0xFFFFCE00  }
.LBB2_2:
0xe: {  	p0 =	sne.s32 s13, $0x6200  }
.Ltmp0:
0xf: {  	_ = 	snop;
	(pc) =	sbr.rel @p0 .LBB2_2-.Ltmp0, $4  }
0x10: {  	_ = 	snop  }
0x11: {  	s14 =	sshra.s32 s13, $0x2  }
0x12: {  	[tilespmem:s12], [sflag:$0x1] =	stream.indirect.gather [hbm4b:s3+s8], $0x8, s14, s8, $0xb8;
	[tilespmem:$0xFA00] =	vst v63  }
0x13: {  	s13 =	sadd.s32 $0x200, s13;
	s12 =	sadd.s32 $0x400, s12  }
0x14: {  	_ =	swait.ge [sflag:s9], $0x400  }
0x15: {  	s12 =	simm.s32 $0x31;
	[sflag:s9] =	ssyncset.done $0x0  }
.LBB2_4:
0x16: {  	p0 =	sne.s32 s12, $0x1;
	s12 =	sadd.s32 $0xFFFFFFFF, s12;
	[sflag:s9] =	ssyncadd.s32 $0xFFFFFC00  }
.Ltmp1:
0x17: {  	(pc) =	sbr.rel @p0 .LBB2_4-.Ltmp1, $3  }
0x18: {  	_ =	sdelay $0x1  }
0x19: {  	_ =	swait.ge [sflag:s9], $0x400  }
0x1a: {  	[sflag:s9] =	ssyncset.done $0x0  }
0x1b: {  	[sflag:s9] =	ssyncadd.s32 $0xFFFFFC00;
	s12 =	simm.s32 $0x0;
	s13 =	simm.s32 $0x3200  }
0x1c: {  	[hbm4b:s5+s12] =	stream.linear.scatter [tilespmem:s13], [sflag:$0x2], $0xC800, $0x38;
	[tilespmem:$0xFA00] =	vst v63  }
0x1d: {  	_ =	swait.ge [sflag:s7], $0xC800  }
0x1e: {  	[sflag:s7] =	ssyncset.done $0x0  }
0x1f: {  	[sflag:s7] =	ssyncadd.s32 $0xFFFF3800  }
.LBB2_6:
0x20: {  	p0 =	sne.s32 s12, $0x6200  }
.Ltmp2:
0x21: {  	_ = 	snop;
	(pc) =	sbr.rel @p0 .LBB2_6-.Ltmp2, $4  }
0x22: {  	s14 =	sshra.s32 s12, $0x2  }
0x23: {  	s14 =	sadd.s32 $0x1900, s14  }
0x24: {  	[tilespmem:s13], [sflag:$0x1] =	stream.indirect.gather [hbm4b:s3+s8], $0x8, s14, s8, $0xb8;
	[tilespmem:$0xFA00] =	vst v63  }
0x25: {  	s12 =	sadd.s32 $0x200, s12;
	s13 =	sadd.s32 $0x400, s13  }
0x26: {  	_ =	swait.ge [sflag:s9], $0x400  }
0x27: {  	s12 =	simm.s32 $0x31;
	[sflag:s9] =	ssyncset.done $0x0  }
.LBB2_8:
0x28: {  	p0 =	sne.s32 s12, $0x1;
	s12 =	sadd.s32 $0xFFFFFFFF, s12;
	[sflag:s9] =	ssyncadd.s32 $0xFFFFFC00  }
.Ltmp3:
0x29: {  	(pc) =	sbr.rel @p0 .LBB2_8-.Ltmp3, $3  }
0x2a: {  	_ =	sdelay $0x1  }
0x2b: {  	_ =	swait.ge [sflag:s9], $0x400  }
0x2c: {  	[sflag:s9] =	ssyncset.done $0x0  }
0x2d: {  	s11 =	sadd.s32 $0x1, s11  }
0x2e: {  	p0 =	sne.s32 s11, s6  }
.Ltmp4:
0x2f: {  	[sflag:s9] =	ssyncadd.s32 $0xFFFFFC00;
	s12 =	sadd.s32 $0x1900, s5;
	(pc) =	sbr.rel @p0 .LBB2_1-.Ltmp4, $4  }
0x30: {  	[hbm4b:s12+s2] =	stream.linear.scatter [tilespmem:s10], [sflag:$0x2], $0xC800, $0x38;
	[tilespmem:$0xFA00] =	vst v63  }
0x31: {  	_ =	swait.ge [sflag:s7], $0xC800  }
0x32: {  	[sflag:s7] =	ssyncset.done $0x0  }
0x33: {  	[sflag:s7] =	ssyncadd.s32 $0xFFFF3800  }
0x34: {  	_ =	sfence.sel $0x180000  }
0x35: {  	[bflag:$0x0] =	sbarrier.arrive $0xFFFF  }
0x36: {  	p0 =	sne.s32 s0, $0x0;
	_ =	strace $0x90000047  }
0x37: {  	s0 =	sadd.s32 @!p0 $0x100000, s1;
	[bflag:$0x2] =	sbarrier.arrive $0xFFFF  }
0x38: {  	[sflag:s0] =	ssyncadd.tile.s32 @!p0 $0x1;
	_ =	shalt  }
.Lfunc_end2:
_tile_overlayer_lowered:
.L_overlay_start_2:
0x39: {  	(tag) =	ssettag $0x2  }
0x3a: {  	s0 =	rddreg [dreg:$0x0];
	s2 =	stileid.u32  }
0x3b: {  	s1 =	rddreg [dreg:$0x1];
	p0 =	sne.s32 s2, $0x0  }
0x3c: {  	s3 =	rddreg [dreg:$0x2];
	[bflag:$0x3] =	sbarrier.arrive $0xFFFF;
	s2 =	simm.s32 @!p0 $0x1C02  }
0x3d: {  	[timem:s3], [sflag:s2] =	dma.local @!p0 [hbm:s0], s1  }
0x3e: {  	s0 =	simm.s32 @!p0 $0x2  }
0x3f: {  	_ =	swait.ge @!p0 [sflag:s0], s1  }
0x40: {  	s1 =	ssub.s32 @!p0 $0x0, s1;
	[sflag:s0] =	ssyncset.done @!p0 $0x0  }
0x41: {  	[sflag:s0] =	ssyncadd.s32 @!p0 s1  }
0x42: {  	[bflag:$0x3] =	sbarrier.arrive $0xFFFF  }
0x43: {  	_ =	shalt  }

// kernel: sparse-core-data-format-call.cloned.1.call-start
scs
called_computation_lowered:
.L_overlay_start_0:
0x0: {  	s2 =	sld [smem:$0x3FD9]  }
0x1: {  	s3 =	sld [smem:$0x3FFE];
	_ =	sdelay $0x1  }
0x2: {  	s1 =	srdreg.scid  }
0x3: {  	s0 =	sand.u32 $0x1, s1  }
0x4: {  	s18 =	sshll.u32 s0, $0xA;
	s2 =	sadd.s32 s3, s2  }
0x5: {  	s2 =	sadd.s32 s2, s18  }
0x6: {  	[smem:$0x3FC3] =	sst s2  }
0x7: {  	_ = 	snop  }
0x8: {  	s2 =	sld [smem:$0x3FD0];
	(tm) =	ssettm $0x1  }
0x9: {  	s19 =	sld [smem:$0x3FFB];
	_ =	sdelay $0x3  }
0xa: {  	_ =	strace s19  }
0xb: {  	s3 =	sld [smem:$0x3FFC];
	_ =	sdelay $0x3  }
0xc: {  	_ =	strace s3  }
0xd: {  	s3 =	sld [smem:$0x3FFD];
	_ =	sdelay $0x3  }
0xe: {  	_ =	strace s3  }
0xf: {  	_ =	strace $0x8FFFFFFF  }
0x10: {  	s20 =	sld [smem:$0x3FDB];
	_ =	sdelay $0x1  }
0x11: {  	s4 =	simm.s32 $_scs_section_size  }
0x12: {  	s5 =	simm.s32 $_size__tile_overlayer_lowered;
	s6 =	simm.s32 $_tile_overlayer_lowered  }
0x13: {  	s23 =	simm.s32 $0x1BFF;
	s22 =	sshll.u32 s6, $0x1;
	s3 =	sadd.s32 s4, s20  }
0x14: {  	s7 =	simm.s32 $0x0;
	s21 =	sshll.u32 s5, $0x1;
	s5 =	sadd.s32 s22, s3  }
0x15: {  	[timem:s7], [sflag:s23] =	dma.local [hbm:s5], s21  }
0x16: {  	_ =	swait.ge [sflag:s23], s21  }
0x17: {  	s4 =	ssub.s32 $0x0, s21;
	[sflag:s23] =	ssyncset.done $0x0  }
0x18: {  	[sflag:s23] =	ssyncadd.s32 s4;
	_ =	sdelay $0x1  }
0x19: {  	s24 =	simm.s32 $0x1B8B  }
0x1a: {  	_ =	swait.ge [sflag:s24], $0x1  }
0x1b: {  	[sflag:s24] =	ssyncset.done $0x0  }
0x1c: {  	s26 =	simm.s32 $0x1B8E;
	s25 =	sld [smem:$0x3FFE];
	[sflag:s24] =	ssyncadd.s32 $0xFFFFFFFF  }
0x1d: {  	s27 =	simm.s32 $execute0_lowered;
	[smem:$0x3FD2] =	sst s26  }
0x1e: {  	s5 =	sshll.u32 s27, $0x1;
	_ =	strace $0x8000004C;
	[dreg:$0x1] =	wrdreg $0xFFFFFFFF  }
0x1f: {  	s28 =	simm.s32 $_size_execute0_lowered;
	s3 =	sadd.s32 s3, s5;
	[dreg:$0x0] =	wrdreg $0x0  }
0x20: {  	s5 =	sshll.u32 s28, $0x1;
	[dreg:$0x2] =	wrdreg s3  }
0x21: {  	[dreg:$0x3] =	wrdreg s5  }
0x22: {  	[dreg:$0x4] =	wrdreg $0xC0  }
0x23: {  	_ =	task [dreg:s7], $0x5FFFF  }
0x24: {  	[dreg:$0x1] =	wrdreg $0xFFFFFFFF  }
0x25: {  	[dreg:$0x0] =	wrdreg $0x60  }
0x26: {  	[dreg:$0x2] =	wrdreg s2  }
0x27: {  	[dreg:$0x3] =	wrdreg s25  }
0x28: {  	[dreg:$0x4] =	wrdreg $0x9  }
0x29: {  	_ =	task.clear_ibuf [dreg:s7], $0x5FFFF;
	_ =	strace $0x9000004C  }
0x2a: {  	s29 =	simm.s32 $0x9;
	_ =	strace $0x8000004E  }
0x2b: {  	_ =	swait.ge [sflag:s29], $0x1  }
0x2c: {  	[sflag:s29] =	ssyncadd.s32 $0xFFFFFFFF  }
0x2d: {  	_ =	strace $0x9000004E  }
0x2e: {  	_ =	sfence  }
0x2f: {  	s30 =	sld [smem:$0x0];
	_ =	sdelay $0x2  }
0x30: {  	s31 =	sshll.u32 s1, $0xD;
	s1 =	sshrl.u32 s1, $0x2  }
0x31: {  	s3 =	sand.u32 $0x4000, s31;
	s1 =	sadd.s32 s1, s30  }
0x32: {  	s0 =	sor.u32 s3, s0;
	s1 =	sshll.u32 s1, $0x11  }
0x33: {  	s0 =	sor.u32 s1, s0  }
0x34: {  	s0 =	sadd.s32 $0x8F2B, s0  }
0x35: {  	[sflag:s0] =	ssyncadd.remote.s32 $0x1  }
0x36: {  	_ =	sfence.sel $0xFFFF  }
0x37: {  	[dreg:$0x0] =	wrdreg $0xFFFFFFFF;
	(pc) =	sbr.abs _section_cstart, $3  }
0x38: {  	[dreg:$0x1] =	wrdreg $0xFFFFFFFF  }
0x39: {  	_ =	task.clear_ibuf [dreg:s7], $0x2FFFF;
	_ =	strace $0x9FFFFFFF  }
0x3a: {  	(tm) =	ssettm $0x7FFFFFFF  }
0x3b: {  	_ =	shalt  }
tec
execute0_lowered:
.L_overlay_start_1:
0x0: {  	(tag) =	ssettag $0x1  }
0x1: {  	s0 =	srdreg.scid  }
0x2: {  	s1 =	sshll.u32 s0, $0x4  }
0x3: {  	s0 =	stileid.u32;
	s1 =	sand.u32 $0x10, s1  }
0x4: {  	s3 =	rddreg [dreg:$0x0];
	s1 =	sor.u32 s0, s1  }
0x5: {  	s6 =	rddreg [dreg:$0x1];
	s2 =	sshll.u32 s1, $0x7  }
0x6: {  	s7 =	simm.s32 $0x2;
	s13 =	simm.s32 $0x0;
	s1 =	ssub.s32 $0x1000, s2  }
0x7: {  	s8 =	simm.s32 $0x8000;
	s12 =	simm.s32 $0x0;
	s4 =	sand.u32 $0xF80, s1  }
0x8: {  	s9 =	simm.s32 $0x0;
	p0 =	sne.s32 s4, $0x0;
	s4 =	simm.s32 $0x1  }
.Ltmp0:
0x9: {  	s5 =	sshrl.u32 s1, $0xC;
	s4 =	simm.s32 @!p0 $0x0;
	(pc) =	sbr.rel .LBB1_1-.Ltmp0, $4  }
0xa: {  	s11 =	simm.s32 $0x0;
	s1 =	rddreg [dreg:$0x2];
	s5 =	sadd.s32 s4, s5  }
0xb: {  	_ =	strace $0x8000004D;
	s4 =	simm.s32 $0x1;
	s5 =	smul.u32 $0x32, s5  }
0xc: {  	s6 =	sadd.s32 $0xE00, s6;
	s10 =	smov.u32 s2;
	[sflag:s4] =	ssyncpa.u1 $0x0  }
0xd: {  	p0 =	por $0x0, $0x0;
	[sflag:s7] =	ssyncpa.u1 $0x0;
	s7 =	sor.u32 $0x1, s5  }
.LBB1_4:
0xe: {  	v5 =	vld [tilespmem:s16+$0xFFFFFFD0];
	[tilespmem:s17+$0x2040 ss:$0x81] =	vst.msk $0xffff, v3  }
0xf: {  	v58 =	vld [tilespmem:s16+$0xFFFFFFE0];
	[tilespmem:s17+$0x2850 ss:$0x81] =	vst.msk $0xffff, v4;
	s19 =	sshll.u32 s13, $0xC;
	s20 =	sshll.u32 s12, $0x3  }
0x10: {  	s18 =	sshra.s32 s18, $0x2;
	v59 =	vld [tilespmem:s16+$0xFFFFFFF0];
	[tilespmem:s17+$0x3060 ss:$0x81] =	vst.msk $0xffff, v2;
	s19 =	sand.u32 $0xFFFF8000, s19;
	s21 =	sand.u32 $0xFFFFFC00, s20  }
0x11: {  	[tilespmem:s17+$0x0 ss:$0x81] =	vst.msk $0xffff, v0;
	v60 =	vld [tilespmem:s16+$0x0];
	s15 =	sadd.s32 s18, s15;
	s25 =	sadd.s32 s21, s19  }
0x12: {  	v61 =	vld [tilespmem:s16+$0x10];
	[tilespmem:s15+$0x3870 ss:$0x81] =	vst.msk $0xffff, v1;
	s17 =	sshrl.u32 s25, $0xC  }
0x13: {  	v62 =	vld [tilespmem:s16+$0x20];
	s26 =	smulhi.u32 $0xA3D71, s17;
	[tilespmem:s15+$0x810 ss:$0x81] =	vst.msk $0xffff, v5  }
0x14: {  	v63 =	vld [tilespmem:s16+$0xFFFFFFC0];
	s27 =	sand.u32 $0x78, s12;
	s28 =	sshll.u32 s13, $0x7;
	s29 =	sand.u32 $0xC00, s20;
	[tilespmem:s15+$0x1020 ss:$0x81] =	vst.msk $0xffff, v58  }
0x15: {  	s13 =	sand.u32 $0x380, s28;
	s16 =	sor.u32 s27, s29;
	[tilespmem:s15+$0x1830 ss:$0x81] =	vst.msk $0xffff, v59;
	s18 =	smul.u32 $0x1900, s26  }
0x16: {  	s13 =	sor.u32 s13, s16;
	[tilespmem:s15+$0x2040 ss:$0x81] =	vst.msk $0xffff, v60  }
0x17: {  	s31 =	sand.u32 $0x7, s12;
	s13 =	sshrl.u32 s13, $0x3;
	[tilespmem:s15+$0x2850 ss:$0x81] =	vst.msk $0xffff, v61;
	s30 =	ssub.s32 s17, s18  }
0x18: {  	s12 =	sshll.u32 s31, $0x12;
	[tilespmem:s15+$0x3060 ss:$0x81] =	vst.msk $0xffff, v62;
	s13 =	sadd.s32 s6, s13;
	s16 =	sshll.u32 s30, $0x9  }
0x19: {  	s12 =	sor.u32 $0x400, s12;
	[tilespmem:s15+$0x0 ss:$0x81] =	vst.msk $0xffff, v63;
	s13 =	sadd.s32 s16, s13  }
0x1a: {  	[hbm4b:s13+s12] =	stream.strided.scatter [tilespmem:s14], [sflag:$0x2], $0x4000, s8, s12, $0x20;
	[tilespmem:$0x10100] =	vst v63  }
.LBB1_5:
0x1b: {  	s14 =	sadd.s32 $0x80, s9  }
0x1c: {  	s12 =	sadd.s32 $0x1000, s10;
	s16 =	smov.u32 s10;
	p2 =	sgt.s32 s14, $0x18FF  }
0x1d: {  	s16 =	smov.u32 @p2 s12  }
0x1e: {  	s14 =	simm.s32 @p2 $0x0;
	p2 =	sgt.s32 s16, $0xFFF  }
0x1f: {  	s16 =	smov.u32 @p2 s2;
	p2 =	sne.s32 s11, s7  }
.Ltmp1:
0x20: {  	p1 =	slt.u32 s11, $0x2;
	(pc) =	sbr.rel @!p2 .LBB1_6-.Ltmp1, $4  }
0x21: {  	s15 =	simm.s32 @!p1 $0x2  }
0x22: {  	s13 =	smov.u32 s9;
	p0 =	por !p0, !p0;
	_ =	swait.ge @!p1 [sflag:s15], $0x4000  }
0x23: {  	s12 =	smov.u32 s10;
	[sflag:s15] =	ssyncset.done @!p1 $0x0;
	s9 =	smov.u32 s14  }
0x24: {  	s11 =	sadd.s32 $0x1, s11;
	[sflag:s15] =	ssyncadd.s32 @!p1 $0xFFFFC000;
	s10 =	smov.u32 s16  }
.LBB1_1:
0x25: {  	p1 =	sge.u32 s11, s5  }
0x26: {  	s14 =	sshrl.u32 @!p1 s10, $0x3  }
0x27: {  	s15 =	sshll.u32 @!p1 s9, $0x3;
	s14 =	smul.u32 @!p1 $0xC800, s14  }
0x28: {  	s16 =	sshll.u32 @!p1 s10, $0x7;
	s15 =	sand.u32 @!p1 $0xFFFFFC00, s15  }
0x29: {  	s14 =	sadd.s32 @!p1 s14, s15;
	s15 =	sand.u32 @!p1 $0x380, s16  }
0x2a: {  	s16 =	sand.u32 @!p1 $0x7F, s9;
	s14 =	sor.u32 @!p1 s15, s14  }
0x2b: {  	s15 =	sor.u32 @!p1 s16, s14  }
0x2c: {  	s16 =	smulhi.u32 @!p1 $0x51EB851F, s15;
	_ =	sdelay $0x1  }
0x2d: {  	s14 =	smulhi.u32 @!p1 $0x51EB851F, s14;
	s16 =	sshrl.u32 @!p1 s16, $0xB  }
0x2e: {  	s16 =	smul.u32 @!p1 $0x1900, s16  }
0x2f: {  	s31 =	sadd.s32 $0xFFFFFFFF, s11;
	s17 =	sxor.u32 @!p1 $0xFFFFFFFF, s11;
	s14 =	sshrl.u32 @!p1 s14, $0xB  }
0x30: {  	s17 =	sshll.u32 @!p1 s17, $0xE;
	s14 =	sand.u32 @!p1 $0xFFF, s14;
	s15 =	ssub.s32 @!p1 s15, s16  }
0x31: {  	s14 =	smul.u32 @!p1 $0x320, s14;
	s16 =	sshrl.u32 @!p1 s15, $0x3;
	s15 =	sand.u32 @!p1 $0x7, s15  }
0x32: {  	s17 =	sand.u32 @!p1 $0x4000, s17;
	s16 =	sadd.s32 @!p1 s3, s16;
	s15 =	sshll.u32 @!p1 s15, $0x12  }
0x33: {  	s14 =	sadd.s32 @!p1 s14, s16;
	s15 =	sor.u32 @!p1 $0x400, s15;
	s16 =	simm.s32 @!p1 $0xC800  }
0x34: {  	[tilespmem:s17], [sflag:$0x1] =	stream.strided.gather @!p1 [hbm4b:s14+s15], $0x4000, s16, s15, $0x38;
	[tilespmem:$0x10100] =	vst v63  }
0x35: {  	p1 =	sge.u32 s31, s5  }
.Ltmp2:
0x36: {  	_ = 	snop;
	(pc) =	sbr.rel @p1 .LBB1_5-.Ltmp2, $1  }
0x37: {  	_ =	sdelay $0x3  }
0x38: {  	s14 =	simm.s32 $0x1  }
0x39: {  	_ =	swait.ge [sflag:s4], $0x4000;
	s14 =	simm.s32 @!p0 $0x0  }
0x3a: {  	[sflag:s4] =	ssyncset.done $0x0;
	s15 =	sshll.u32 s14, $0xE  }
0x3b: {  	[sflag:s4] =	ssyncadd.s32 $0xFFFFC000;
	s16 =	sor.u32 $0x40, s15  }
0x3c: {  	s14 =	smul.u32 $0x10200, s14;
	v0 =	vld [tilespmem:s16+$0x30]  }
0x3d: {  	v1 =	vld [tilespmem:s16+$0xFFFFFFD0]  }
0x3e: {  	s14 =	sshrl.u32 s14, $0x2;
	v5 =	vld [tilespmem:s16+$0xFFFFFFE0]  }
0x3f: {  	v6 =	vld [tilespmem:s16+$0xFFFFFFF0];
	s15 =	sor.u32 $0x8000, s14  }
0x40: {  	s31 =	sand.u32 $0x1, s11;
	v3 =	vld [tilespmem:s16+$0x0];
	s17 =	sadd.s32 $0x0, s15  }
0x41: {  	v4 =	vld [tilespmem:s16+$0x10];
	s14 =	smul.u32 $0x10200, s31;
	[tilespmem:s17+$0x3870 ss:$0x81] =	vst.msk $0xffff, v0  }
0x42: {  	v2 =	vld [tilespmem:s16+$0x20];
	[tilespmem:s17+$0x810 ss:$0x81] =	vst.msk $0xffff, v1  }
0x43: {  	s14 =	sshrl.u32 s14, $0x2;
	v0 =	vld [tilespmem:s16+$0xFFFFFFC0];
	[tilespmem:s17+$0x1020 ss:$0x81] =	vst.msk $0xffff, v5;
	s16 =	sadd.s32 $0x80, s16  }
0x44: {  	s18 =	simm.s32 $0x4;
	s19 =	simm.s32 $0x8;
	s14 =	sor.u32 $0x8000, s14;
	[tilespmem:s17+$0x1830 ss:$0x81] =	vst.msk $0xffff, v6;
	v1 =	vld [tilespmem:s16+$0x30]  }
.LBB1_3:
0x45: {  	p1 =	sne.s32 s19, $0x1FC;
	v5 =	vld [tilespmem:s16+$0xFFFFFFD0];
	[tilespmem:s17+$0x2040 ss:$0x81] =	vst.msk $0xffff, v3  }
0x46: {  	v6 =	vld [tilespmem:s16+$0xFFFFFFE0];
	[tilespmem:s17+$0x2850 ss:$0x81] =	vst.msk $0xffff, v4  }
0x47: {  	s20 =	sshra.s32 s18, $0x2;
	s18 =	smov.u32 s19;
	v7 =	vld [tilespmem:s16+$0xFFFFFFF0];
	[tilespmem:s17+$0x3060 ss:$0x81] =	vst.msk $0xffff, v2  }
.Ltmp3:
0x48: {  	v3 =	vld [tilespmem:s16+$0x0];
	[tilespmem:s17+$0x0 ss:$0x81] =	vst.msk $0xffff, v0;
	s17 =	sadd.s32 s20, s15;
	(pc) =	sbr.rel @p1 .LBB1_3-.Ltmp3, $4  }
0x49: {  	v4 =	vld [tilespmem:s16+$0x10];
	[tilespmem:s17+$0x3870 ss:$0x81] =	vst.msk $0xffff, v1  }
0x4a: {  	[tilespmem:s17+$0x810 ss:$0x81] =	vst.msk $0xffff, v5;
	v2 =	vld [tilespmem:s16+$0x20]  }
0x4b: {  	v0 =	vld [tilespmem:s16+$0xFFFFFFC0];
	[tilespmem:s17+$0x1020 ss:$0x81] =	vst.msk $0xffff, v6;
	s16 =	sadd.s32 $0x80, s16  }
0x4c: {  	s19 =	sadd.s32 $0x4, s19;
	v1 =	vld [tilespmem:s16+$0x30];
	[tilespmem:s17+$0x1830 ss:$0x81] =	vst.msk $0xffff, v7  }
.Ltmp4:
0x4d: {  	_ = 	snop;
	(pc) =	sbr.rel .LBB1_4-.Ltmp4, $1  }
0x4e: {  	_ =	sdelay $0x3  }
.LBB1_6:
0x4f: {  	_ =	sfence.sel $0x180000  }
0x50: {  	s2 =	simm.s32 $0x1;
	[bflag:$0x0] =	sbarrier.arrive $0xFFFF  }
0x51: {  	s31 =	simm.s32 $0x2;
	[sflag:s2] =	ssyncpa.u1 $0x1  }
0x52: {  	[sflag:s31] =	ssyncpa.u1 $0x1  }
0x53: {  	p0 =	sne.s32 s0, $0x0;
	_ =	strace $0x9000004D  }
0x54: {  	s0 =	sadd.s32 @!p0 $0x100000, s1;
	[bflag:$0x2] =	sbarrier.arrive $0xFFFF  }
0x55: {  	[sflag:s0] =	ssyncadd.tile.s32 @!p0 $0x1;
	_ =	shalt  }
.Lfunc_end1:
_tile_overlayer_lowered:
.L_overlay_start_2:
0x56: {  	(tag) =	ssettag $0x2  }
0x57: {  	s0 =	rddreg [dreg:$0x0];
	s2 =	stileid.u32  }
0x58: {  	s1 =	rddreg [dreg:$0x1];
	p0 =	sne.s32 s2, $0x0  }
0x59: {  	s3 =	rddreg [dreg:$0x2];
	[bflag:$0x3] =	sbarrier.arrive $0xFFFF;
	s2 =	simm.s32 @!p0 $0x1C01  }
0x5a: {  	[timem:s3], [sflag:s2] =	dma.local @!p0 [hbm:s0], s1  }
0x5b: {  	s0 =	simm.s32 @!p0 $0x1  }
0x5c: {  	_ =	swait.ge @!p0 [sflag:s0], s1  }
0x5d: {  	s1 =	ssub.s32 @!p0 $0x0, s1;
	[sflag:s0] =	ssyncset.done @!p0 $0x0  }
0x5e: {  	[sflag:s0] =	ssyncadd.s32 @!p0 s1  }
0x5f: {  	[bflag:$0x3] =	sbarrier.arrive $0xFFFF  }
0x60: {  	_ =	shalt  }

</sc_bundles>
